<compile_context>
chip_gen: v7x
topology: tpu7x:2x2x1
jax: 0.10.2.dev20260603
libtpu: 0.0.44.dev20260713+nightly
codegen_flags: <defaults>
</compile_context>

<pallas_src>
import functools

import jax
import jax.numpy as jnp
from jax import lax
from jax.experimental import pallas as pl
from jax.experimental.pallas import tpu as pltpu
from jax.experimental.pallas import tpu_sc as plsc

N = 10000
E = 160000
D = 256
H = 2048
HID = 128
C = 40

W = 384
NC = 2
NS = 16
NW = NC * NS
HPW = H // NW
NV = 10240
CHW = 1024


@functools.lru_cache(maxsize=None)
def _sc_mesh():
    return plsc.VectorSubcoreMesh(core_axis_name="c", subcore_axis_name="s",
                                  num_cores=NC, num_subcores=NS)


def _extract(v, nbits, lane):
    i = lax.iota(jnp.int32, 16)
    sel = i == lane
    acc = jnp.int32(0)
    for k in range(nbits):
        bit = jnp.any(sel & (((v >> k) & 1) == 1))
        acc = acc + jnp.where(bit, jnp.int32(1 << k), jnp.int32(0))
    return acc


def _build_b_body(nidx_hbm, hidx_hbm, zrow_hbm, b_out,
                  nidx_v, hidx_v, probe_v, acc_v):
    c = lax.axis_index("c")
    s = lax.axis_index("s")
    w = c * NS + s
    iota16 = lax.iota(jnp.int32, 16)

    def first_geq(target):
        def step(_, carry):
            lo_b, hi_b = carry
            done = lo_b >= hi_b
            mid = jnp.minimum((lo_b + hi_b) // 2, E - 1)
            blk = pl.multiple_of(mid & ~15, 16)
            lane = mid & 15
            pltpu.sync_copy(hidx_hbm.at[pl.ds(blk, 16)], probe_v)
            go_right = jnp.any((iota16 == lane) & (probe_v[...] < target))
            new_lo = jnp.where(done, lo_b, jnp.where(go_right, mid + 1, lo_b))
            new_hi = jnp.where(done, hi_b, jnp.where(go_right, hi_b, mid))
            return new_lo, new_hi
        ans, _ = lax.fori_loop(0, 18, step, (jnp.int32(0), jnp.int32(E)))
        return ans

    lo = w * (E // NW)
    hi = (w + 1) * (E // NW)

    pltpu.sync_copy(zrow_hbm,
                    b_out.at[pl.ds(pl.multiple_of(w * HPW * NV, 8), HPW * NV)])

    def zero_acc():
        pltpu.sync_copy(zrow_hbm.at[pl.ds(0, 8 * NV)], acc_v)

    zero_acc()

    def flush(blk):
        pltpu.sync_copy(acc_v,
                        b_out.at[pl.ds(pl.multiple_of(blk * 8 * NV, 8), 8 * NV)])

    def chunk_body(ch, carry):
        base = ch * CHW
        off = pl.multiple_of(
            jnp.minimum(jnp.maximum(base - 8, 0), E - CHW - 8), 8)
        pltpu.sync_copy(nidx_hbm.at[pl.ds(off, CHW + 8)],
                        nidx_v.at[pl.ds(0, CHW + 8)])
        pltpu.sync_copy(hidx_hbm.at[pl.ds(off, CHW + 8)],
                        hidx_v.at[pl.ds(0, CHW + 8)])
        g0 = jnp.maximum((lo - base) // 16, 0)
        g1 = jnp.minimum((hi - base + 15) // 16, CHW // 16)

        def group_body(gi, carry):
            return carry + gi

        return lax.fori_loop(g0, g1, group_body, carry)

    lax.fori_loop(lo // CHW, (hi + CHW - 1) // CHW, chunk_body, 0)

    @pl.when(hi > lo)
    def _():
        last = hi - 1
        base = (last // CHW) * CHW
        off = jnp.minimum(jnp.maximum(base - 8, 0), E - CHW - 8)
        flush(_extract(hidx_v[pl.ds(last - off, 16)] >> 3, 8, 0))


@functools.lru_cache(maxsize=None)
def _build_b():
  return pl.kernel(
    _build_b_body,
    out_type=jax.ShapeDtypeStruct((H * NV,), jnp.float32),
    mesh=_sc_mesh(),
    compiler_params=pltpu.CompilerParams(needs_layout_passes=False),
    scratch_types=[
        pltpu.VMEM((CHW + 32,), jnp.int32),
        pltpu.VMEM((CHW + 32,), jnp.int32),
        pltpu.VMEM((16,), jnp.int32),
        pltpu.VMEM((8 * NV,), jnp.float32),
    ],
  )


def _he_tc_body(b_ref, xw_ref, w_ref, bias_ref, out_ref):
    sa = jnp.dot(b_ref[...], xw_ref[...], preferred_element_type=jnp.float32)
    d = jnp.maximum(sa[:, D:D + 1], 1.0)
    mean = sa[:, :D] / d
    he = jnp.dot(mean, w_ref[...], preferred_element_type=jnp.float32) + bias_ref[...]
    he = jnp.maximum(he, 0.0)
    bh = he.shape[0]
    marker = (lax.broadcasted_iota(jnp.int32, (bh, W - D), 1) == 0)
    tail = jnp.where(marker, 1.0, 0.0).astype(jnp.float32)
    out_ref[...] = jnp.concatenate([he, tail], axis=1)


def _he_tc(b_mat, xw, w, bias):
    bh = 256
    return pl.pallas_call(
        _he_tc_body,
        grid=(H // bh,),
        in_specs=[
            pl.BlockSpec((bh, NV), lambda i: (i, 0)),
            pl.BlockSpec((NV, W), lambda i: (0, 0)),
            pl.BlockSpec((D, D), lambda i: (0, 0)),
            pl.BlockSpec((1, D), lambda i: (0, 0)),
        ],
        out_specs=pl.BlockSpec((bh, W), lambda i: (i, 0)),
        out_shape=jax.ShapeDtypeStruct((H, W), jnp.float32),
    )(b_mat, xw, w, bias)


def _final_tc_body(x_ref, b_ref, hea_ref, wself_ref, bself_ref,
                   we2v_ref, be2v_ref, w1_ref, b1_ref, w2_ref, b2_ref,
                   out_ref):
    sa = lax.dot_general(b_ref[...], hea_ref[...],
                         (((0,), (0,)), ((), ())),
                         preferred_element_type=jnp.float32)
    dv = jnp.maximum(sa[:, D:D + 1], 1.0)
    agg = sa[:, :D] / dv
    inc = jnp.dot(agg, we2v_ref[...], preferred_element_type=jnp.float32) + be2v_ref[...]
    xo = jnp.dot(x_ref[...], wself_ref[...], preferred_element_type=jnp.float32)
    xo = jnp.maximum(xo + bself_ref[...] + inc, 0.0)
    h = jnp.dot(xo, w1_ref[...], preferred_element_type=jnp.float32) + b1_ref[...]
    h = jnp.maximum(h, 0.0)
    lg = jnp.dot(h, w2_ref[...], preferred_element_type=jnp.float32) + b2_ref[...]
    m = jnp.max(lg, axis=1, keepdims=True)
    e = jnp.exp(lg - m)
    out_ref[...] = e / jnp.sum(e, axis=1, keepdims=True)


def _final_tc(x, b_mat, hea, w_self, b_self, w_e2v, b_e2v, w1, b1, w2, b2):
    bn = 256
    grid = (N + bn - 1) // bn
    return pl.pallas_call(
        _final_tc_body,
        grid=(grid,),
        in_specs=[
            pl.BlockSpec((bn, D), lambda i: (i, 0)),
            pl.BlockSpec((H, bn), lambda i: (0, i)),
            pl.BlockSpec((H, W), lambda i: (0, 0)),
            pl.BlockSpec((D, D), lambda i: (0, 0)),
            pl.BlockSpec((1, D), lambda i: (0, 0)),
            pl.BlockSpec((D, D), lambda i: (0, 0)),
            pl.BlockSpec((1, D), lambda i: (0, 0)),
            pl.BlockSpec((D, HID), lambda i: (0, 0)),
            pl.BlockSpec((1, HID), lambda i: (0, 0)),
            pl.BlockSpec((HID, C), lambda i: (0, 0)),
            pl.BlockSpec((1, C), lambda i: (0, 0)),
        ],
        out_specs=pl.BlockSpec((bn, C), lambda i: (i, 0)),
        out_shape=jax.ShapeDtypeStruct((N, C), jnp.float32),
    )(x, b_mat, hea, w_self, b_self, w_e2v, b_e2v, w1, b1, w2, b2)


def kernel(x, node_idx, hedge_idx, W_v2e, b_v2e, W_e2v, b_e2v,
           W_self, b_self, W1, b1, W2, b2):
    x = x.astype(jnp.float32)
    ni = node_idx.astype(jnp.int32)
    hi = hedge_idx.astype(jnp.int32)
    xw = jnp.concatenate(
        [x, jnp.ones((N, 1), jnp.float32),
         jnp.zeros((N, W - D - 1), jnp.float32)], axis=1)
    xwp = jnp.concatenate([xw, jnp.zeros((NV - N, W), jnp.float32)], axis=0)
    zrow = jnp.zeros((HPW * NV,), jnp.float32)

    b_flat = _build_b()(ni, hi, zrow)
    b_mat = b_flat.reshape(H, NV)
    hea = _he_tc(b_mat, xwp, W_v2e, b_v2e.reshape(1, D))
    return _final_tc(x, b_mat, hea, W_self, b_self.reshape(1, D),
                     W_e2v, b_e2v.reshape(1, D), W1, b1.reshape(1, HID),
                     W2, b2.reshape(1, C))

# --- scband reference (transcript-rebuilt; emitter-appended) ---
"""Pipeline reference for scband-hco-gnn-node-classifier-67319317397979 (READ-ONLY COPY).

The authoritative reference and input builder live on the scoring server;
editing this copy changes nothing except your own understanding.
"""

import jax, jax.numpy as jnp
import numpy as np

N = 10000
E = 160000
D = 256
H = 2048
HID = 128
C = 40


def setup_inputs(seed: int = 0) -> dict:
    key = jax.random.key(seed)
    ks = jax.random.split(key, 12)
    x = jax.random.normal(ks[0], (N, D), dtype=jnp.float32)
    node_idx = jax.random.randint(ks[1], (E,), 0, N, dtype=jnp.int64 if jax.config.jax_enable_x64 else jnp.int32)
    hedge_idx = jnp.sort(jax.random.randint(ks[2], (E,), 0, H, dtype=jnp.int64 if jax.config.jax_enable_x64 else jnp.int32))
    s = 1.0 / np.sqrt(D)
    W_v2e = jax.random.normal(ks[3], (D, D), dtype=jnp.float32) * s
    b_v2e = jnp.zeros((D,), dtype=jnp.float32)
    W_e2v = jax.random.normal(ks[4], (D, D), dtype=jnp.float32) * s
    b_e2v = jnp.zeros((D,), dtype=jnp.float32)
    W_self = jax.random.normal(ks[5], (D, D), dtype=jnp.float32) * s
    b_self = jnp.zeros((D,), dtype=jnp.float32)
    W1 = jax.random.normal(ks[6], (D, HID), dtype=jnp.float32) * s
    b1 = jnp.zeros((HID,), dtype=jnp.float32)
    W2 = jax.random.normal(ks[7], (HID, C), dtype=jnp.float32) * (1.0 / np.sqrt(HID))
    b2 = jnp.zeros((C,), dtype=jnp.float32)
    return {"x": x, "node_idx": node_idx, "hedge_idx": hedge_idx,
            "W_v2e": W_v2e, "b_v2e": b_v2e, "W_e2v": W_e2v, "b_e2v": b_e2v,
            "W_self": W_self, "b_self": b_self,
            "W1": W1, "b1": b1, "W2": W2, "b2": b2}


def reference(x, node_idx, hedge_idx, W_v2e, b_v2e, W_e2v, b_e2v, W_self, b_self, W1, b1, W2, b2):
    Nn = x.shape[0]
    # num_iterations = 1: iteration 0 uses fixed action with column 0 set to 1
    action = jnp.zeros((Nn, 4), dtype=x.dtype).at[:, 0].set(1.0)
    listen = (action[:, 0] + action[:, 1])[:, None]      # listen gate
    broadcast = (action[:, 0] + action[:, 2])[:, None]   # broadcast gate
    # environment_net: gated hypergraph message passing (node -> hyperedge -> node)
    ones = jnp.ones((node_idx.shape[0],), dtype=x.dtype)
    msg = (x * broadcast)[node_idx]                       # gather broadcast-gated node feats
    deg_e = jax.ops.segment_sum(ones, hedge_idx, num_segments=H)
    he = jax.ops.segment_sum(msg, hedge_idx, num_segments=H) / jnp.maximum(deg_e, 1.0)[:, None]
    he = jax.nn.relu(he @ W_v2e + b_v2e)
    deg_v = jax.ops.segment_sum(ones, node_idx, num_segments=N)
    agg = jax.ops.segment_sum(he[hedge_idx], node_idx, num_segments=N) / jnp.maximum(deg_v, 1.0)[:, None]
    inc = agg @ W_e2v + b_e2v
    x = jax.nn.relu(x @ W_self + b_self + listen * inc)
    # classifier MLP: Linear(256,128) -> ReLU -> Linear(128,40)
    h = jax.nn.relu(x @ W1 + b1)
    logits = h @ W2 + b2
    # dropout is identity in eval; final softmax over classes
    return jax.nn.softmax(logits, axis=1)

if __name__ == "__main__":
    import jax
    _d = setup_inputs()
    print(jax.jit(kernel)(*tuple(_d.values())))

</pallas_src>

<mosaic_0001>
#map = affine_map<(d0, d1) -> (0)>
module attributes {stable_mosaic.version = 14 : i64} {
  func.func @_build_b_body(%arg0: i32, %arg1: i32, %arg2: memref<160000xi32, #tpu.memory_space<hbm>>, %arg3: memref<160000xi32, #tpu.memory_space<hbm>>, %arg4: memref<655360xf32, #tpu.memory_space<hbm>>, %arg5: memref<20971520xf32, #tpu.memory_space<hbm>>, %arg6: memref<1056xi32, #tpu.memory_space<vmem>>, %arg7: memref<1056xi32, #tpu.memory_space<vmem>>, %arg8: memref<16xi32, #tpu.memory_space<vmem>>, %arg9: memref<81920xf32, #tpu.memory_space<vmem>>) attributes {dimension_semantics = [#tpu.dimension_semantics<core_parallel>, #tpu.dimension_semantics<subcore_parallel>], iteration_bounds = array<i64: 2, 16>, scalar_prefetch = 0 : i64, scratch_operands = 4 : i64, tpu.core_type = #tpu.core_type<sc_vector_subcore>, window_params = [{transform_indices = #map}, {transform_indices = #map}, {transform_indices = #map}, {transform_indices = #map}]} {
    %mul3A = arith.constant 16 : i32
    %mul3A_0 = arith.muli %arg0, %mul3A : i32
    %add3A = arith.addi %mul3A_0, %arg1 : i32
    %iota3A = tpu.iota {dimensions = array<i32: 0>} : vector<16xi32>
    %mul3A_1 = arith.constant 5000 : i32
    %mul3A_2 = arith.muli %add3A, %mul3A_1 : i32
    %add3A_3 = arith.constant 1 : i32
    %add3A_4 = arith.addi %add3A, %add3A_3 : i32
    %mul3A_5 = arith.constant 5000 : i32
    %mul3A_6 = arith.muli %add3A_4, %mul3A_5 : i32
    %mul3A_7 = arith.constant 64 : i32
    %mul3A_8 = arith.muli %add3A, %mul3A_7 : i32
    %mul3A_9 = arith.constant 10240 : i32
    %mul3A_10 = arith.muli %mul3A_8, %mul3A_9 : i32
    %multiple_of3A = tpu.assume_multiple %mul3A_10, 8 : i32
    "tpu.region"() ({
      %run_scoped3A = tpu.sem_alloc : memref<!tpu.dma_semaphore, #tpu.memory_space<semaphore_mem>>
      %dma_start3A = tpu.memref_slice %arg5[%multiple_of3A] : memref<20971520xf32, #tpu.memory_space<hbm>> -> memref<655360xf32, #tpu.memory_space<hbm>>
      tpu.enqueue_dma source(%arg4 : memref<655360xf32, #tpu.memory_space<hbm>>) target(%dma_start3A : memref<655360xf32, #tpu.memory_space<hbm>>) target_semaphore(%run_scoped3A : memref<!tpu.dma_semaphore, #tpu.memory_space<semaphore_mem>>)
      %dma_wait3A = tpu.memref_slice %arg5[%multiple_of3A] : memref<20971520xf32, #tpu.memory_space<hbm>> -> memref<655360xf32, #tpu.memory_space<hbm>>
      tpu.wait_dma2 semaphore(%run_scoped3A : memref<!tpu.dma_semaphore, #tpu.memory_space<semaphore_mem>>) src(%arg4 : memref<655360xf32, #tpu.memory_space<hbm>>) dst(%dma_wait3A : memref<655360xf32, #tpu.memory_space<hbm>>)
      tpu.yield
    }) : () -> ()
    "tpu.region"() ({
      %run_scoped3A = tpu.sem_alloc : memref<!tpu.dma_semaphore, #tpu.memory_space<semaphore_mem>>
      %dma_start3A = arith.constant 0 : i32
      %dma_start3A_66 = tpu.memref_slice %arg4[%dma_start3A] : memref<655360xf32, #tpu.memory_space<hbm>> -> memref<81920xf32, #tpu.memory_space<hbm>>
      %dma_start3A_67 = arith.constant 0 : i32
      %dma_start3A_68 = tpu.memref_slice %arg4[%dma_start3A_67] : memref<655360xf32, #tpu.memory_space<hbm>> -> memref<81920xf32, #tpu.memory_space<hbm>>
      tpu.enqueue_dma source(%dma_start3A_68 : memref<81920xf32, #tpu.memory_space<hbm>>) target(%arg9 : memref<81920xf32, #tpu.memory_space<vmem>>) target_semaphore(%run_scoped3A : memref<!tpu.dma_semaphore, #tpu.memory_space<semaphore_mem>>)
      %dma_wait3A = arith.constant 0 : i32
      %dma_wait3A_69 = tpu.memref_slice %arg4[%dma_wait3A] : memref<655360xf32, #tpu.memory_space<hbm>> -> memref<81920xf32, #tpu.memory_space<hbm>>
      %dma_wait3A_70 = arith.constant 0 : i32
      %dma_wait3A_71 = tpu.memref_slice %arg4[%dma_wait3A_70] : memref<655360xf32, #tpu.memory_space<hbm>> -> memref<81920xf32, #tpu.memory_space<hbm>>
      tpu.wait_dma2 semaphore(%run_scoped3A : memref<!tpu.dma_semaphore, #tpu.memory_space<semaphore_mem>>) src(%dma_wait3A_71 : memref<81920xf32, #tpu.memory_space<hbm>>) dst(%arg9 : memref<81920xf32, #tpu.memory_space<vmem>>)
      tpu.yield
    }) : () -> ()
    %jit3A = arith.constant 1024 : i32
    %div3A = arith.divsi %mul3A_2, %jit3A : i32
    %sign3A = arith.constant 0 : i32
    %sign3A_11 = arith.cmpi sgt, %mul3A_2, %sign3A : i32
    %sign3A_12 = arith.extui %sign3A_11 : i1 to i32
    %sign3A_13 = arith.constant 0 : i32
    %sign3A_14 = arith.cmpi slt, %mul3A_2, %sign3A_13 : i32
    %sign3A_15 = arith.extui %sign3A_14 : i1 to i32
    %sign3A_16 = arith.subi %sign3A_12, %sign3A_15 : i32
    %sign3A_17 = arith.constant 0 : i32
    %sign3A_18 = arith.cmpi sgt, %jit3A, %sign3A_17 : i32
    %sign3A_19 = arith.extui %sign3A_18 : i1 to i32
    %sign3A_20 = arith.constant 0 : i32
    %sign3A_21 = arith.cmpi slt, %jit3A, %sign3A_20 : i32
    %sign3A_22 = arith.extui %sign3A_21 : i1 to i32
    %sign3A_23 = arith.subi %sign3A_19, %sign3A_22 : i32
    %ne3A = arith.cmpi ne, %sign3A_16, %sign3A_23 : i32
    %rem3A = arith.remsi %mul3A_2, %jit3A : i32
    %ne3A_24 = arith.constant 0 : i32
    %ne3A_25 = arith.cmpi ne, %rem3A, %ne3A_24 : i32
    %and3A = arith.andi %ne3A, %ne3A_25 : i1
    %sub3A = arith.constant 1 : i32
    %sub3A_26 = arith.subi %div3A, %sub3A : i32
    %select_n3A = arith.select %and3A, %sub3A_26, %div3A : i32
    %add3A_27 = arith.constant 1024 : i32
    %add3A_28 = arith.addi %mul3A_6, %add3A_27 : i32
    %sub3A_29 = arith.constant 1 : i32
    %sub3A_30 = arith.subi %add3A_28, %sub3A_29 : i32
    %jit3A_31 = arith.constant 1024 : i32
    %div3A_32 = arith.divsi %sub3A_30, %jit3A_31 : i32
    %sign3A_33 = arith.constant 0 : i32
    %sign3A_34 = arith.cmpi sgt, %sub3A_30, %sign3A_33 : i32
    %sign3A_35 = arith.extui %sign3A_34 : i1 to i32
    %sign3A_36 = arith.constant 0 : i32
    %sign3A_37 = arith.cmpi slt, %sub3A_30, %sign3A_36 : i32
    %sign3A_38 = arith.extui %sign3A_37 : i1 to i32
    %sign3A_39 = arith.subi %sign3A_35, %sign3A_38 : i32
    %sign3A_40 = arith.constant 0 : i32
    %sign3A_41 = arith.cmpi sgt, %jit3A_31, %sign3A_40 : i32
    %sign3A_42 = arith.extui %sign3A_41 : i1 to i32
    %sign3A_43 = arith.constant 0 : i32
    %sign3A_44 = arith.cmpi slt, %jit3A_31, %sign3A_43 : i32
    %sign3A_45 = arith.extui %sign3A_44 : i1 to i32
    %sign3A_46 = arith.subi %sign3A_42, %sign3A_45 : i32
    %ne3A_47 = arith.cmpi ne, %sign3A_39, %sign3A_46 : i32
    %rem3A_48 = arith.remsi %sub3A_30, %jit3A_31 : i32
    %ne3A_49 = arith.constant 0 : i32
    %ne3A_50 = arith.cmpi ne, %rem3A_48, %ne3A_49 : i32
    %and3A_51 = arith.andi %ne3A_47, %ne3A_50 : i1
    %sub3A_52 = arith.constant 1 : i32
    %sub3A_53 = arith.subi %div3A_32, %sub3A_52 : i32
    %select_n3A_54 = arith.select %and3A_51, %sub3A_53, %div3A_32 : i32
    %while3A = arith.constant 0 : i32
    %while3A_55 = arith.subi %select_n3A_54, %select_n3A : i32
    %while3A_56 = arith.addi %select_n3A, %while3A_55 : i32
    %while3A_57 = arith.constant 1 : i32
    %while3A_58 = arith.divsi %while3A_55, %while3A_57 : i32
    %while3A_59 = arith.muli %while3A_58, %while3A_57 : i32
    %while3A_60 = arith.addi %select_n3A, %while3A_59 : i32
    %while3A_61 = arith.constant 1 : i32
    %while3A_62 = scf.for %while3A_66 = %select_n3A to %while3A_60 step %while3A_61 iter_args(%while3A_67 = %while3A) -> (i32)  : i32 {
      %mul3A_68 = arith.constant 1024 : i32
      %mul3A_69 = arith.muli %while3A_66, %mul3A_68 : i32
      %sub3A_70 = arith.constant 8 : i32
      %sub3A_71 = arith.subi %mul3A_69, %sub3A_70 : i32
      %max3A = arith.constant 0 : i32
      %max3A_72 = arith.maxsi %sub3A_71, %max3A : i32
      %min3A = arith.constant 158968 : i32
      %min3A_73 = arith.minsi %max3A_72, %min3A : i32
      %multiple_of3A_74 = tpu.assume_multiple %min3A_73, 8 : i32
      "tpu.region"() ({
        %run_scoped3A = tpu.sem_alloc : memref<!tpu.dma_semaphore, #tpu.memory_space<semaphore_mem>>
        %dma_start3A = arith.constant 0 : i32
        %dma_start3A_141 = tpu.memref_slice %arg6[%dma_start3A] : memref<1056xi32, #tpu.memory_space<vmem>> -> memref<1032xi32, #tpu.memory_space<vmem>>
        %dma_start3A_142 = tpu.memref_slice %arg2[%multiple_of3A_74] : memref<160000xi32, #tpu.memory_space<hbm>> -> memref<1032xi32, #tpu.memory_space<hbm>>
        %dma_start3A_143 = arith.constant 0 : i32
        %dma_start3A_144 = tpu.memref_slice %arg6[%dma_start3A_143] : memref<1056xi32, #tpu.memory_space<vmem>> -> memref<1032xi32, #tpu.memory_space<vmem>>
        %dma_start3A_145 = tpu.memref_slice %arg2[%multiple_of3A_74] : memref<160000xi32, #tpu.memory_space<hbm>> -> memref<1032xi32, #tpu.memory_space<hbm>>
        tpu.enqueue_dma source(%dma_start3A_145 : memref<1032xi32, #tpu.memory_space<hbm>>) target(%dma_start3A_144 : memref<1032xi32, #tpu.memory_space<vmem>>) target_semaphore(%run_scoped3A : memref<!tpu.dma_semaphore, #tpu.memory_space<semaphore_mem>>)
        %dma_wait3A = arith.constant 0 : i32
        %dma_wait3A_146 = tpu.memref_slice %arg6[%dma_wait3A] : memref<1056xi32, #tpu.memory_space<vmem>> -> memref<1032xi32, #tpu.memory_space<vmem>>
        %dma_wait3A_147 = tpu.memref_slice %arg2[%multiple_of3A_74] : memref<160000xi32, #tpu.memory_space<hbm>> -> memref<1032xi32, #tpu.memory_space<hbm>>
        %dma_wait3A_148 = arith.constant 0 : i32
        %dma_wait3A_149 = tpu.memref_slice %arg6[%dma_wait3A_148] : memref<1056xi32, #tpu.memory_space<vmem>> -> memref<1032xi32, #tpu.memory_space<vmem>>
        %dma_wait3A_150 = tpu.memref_slice %arg2[%multiple_of3A_74] : memref<160000xi32, #tpu.memory_space<hbm>> -> memref<1032xi32, #tpu.memory_space<hbm>>
        tpu.wait_dma2 semaphore(%run_scoped3A : memref<!tpu.dma_semaphore, #tpu.memory_space<semaphore_mem>>) src(%dma_wait3A_150 : memref<1032xi32, #tpu.memory_space<hbm>>) dst(%dma_wait3A_149 : memref<1032xi32, #tpu.memory_space<vmem>>)
        tpu.yield
      }) : () -> ()
      "tpu.region"() ({
        %run_scoped3A = tpu.sem_alloc : memref<!tpu.dma_semaphore, #tpu.memory_space<semaphore_mem>>
        %dma_start3A = arith.constant 0 : i32
        %dma_start3A_141 = tpu.memref_slice %arg7[%dma_start3A] : memref<1056xi32, #tpu.memory_space<vmem>> -> memref<1032xi32, #tpu.memory_space<vmem>>
        %dma_start3A_142 = tpu.memref_slice %arg3[%multiple_of3A_74] : memref<160000xi32, #tpu.memory_space<hbm>> -> memref<1032xi32, #tpu.memory_space<hbm>>
        %dma_start3A_143 = arith.constant 0 : i32
        %dma_start3A_144 = tpu.memref_slice %arg7[%dma_start3A_143] : memref<1056xi32, #tpu.memory_space<vmem>> -> memref<1032xi32, #tpu.memory_space<vmem>>
        %dma_start3A_145 = tpu.memref_slice %arg3[%multiple_of3A_74] : memref<160000xi32, #tpu.memory_space<hbm>> -> memref<1032xi32, #tpu.memory_space<hbm>>
        tpu.enqueue_dma source(%dma_start3A_145 : memref<1032xi32, #tpu.memory_space<hbm>>) target(%dma_start3A_144 : memref<1032xi32, #tpu.memory_space<vmem>>) target_semaphore(%run_scoped3A : memref<!tpu.dma_semaphore, #tpu.memory_space<semaphore_mem>>)
        %dma_wait3A = arith.constant 0 : i32
        %dma_wait3A_146 = tpu.memref_slice %arg7[%dma_wait3A] : memref<1056xi32, #tpu.memory_space<vmem>> -> memref<1032xi32, #tpu.memory_space<vmem>>
        %dma_wait3A_147 = tpu.memref_slice %arg3[%multiple_of3A_74] : memref<160000xi32, #tpu.memory_space<hbm>> -> memref<1032xi32, #tpu.memory_space<hbm>>
        %dma_wait3A_148 = arith.constant 0 : i32
        %dma_wait3A_149 = tpu.memref_slice %arg7[%dma_wait3A_148] : memref<1056xi32, #tpu.memory_space<vmem>> -> memref<1032xi32, #tpu.memory_space<vmem>>
        %dma_wait3A_150 = tpu.memref_slice %arg3[%multiple_of3A_74] : memref<160000xi32, #tpu.memory_space<hbm>> -> memref<1032xi32, #tpu.memory_space<hbm>>
        tpu.wait_dma2 semaphore(%run_scoped3A : memref<!tpu.dma_semaphore, #tpu.memory_space<semaphore_mem>>) src(%dma_wait3A_150 : memref<1032xi32, #tpu.memory_space<hbm>>) dst(%dma_wait3A_149 : memref<1032xi32, #tpu.memory_space<vmem>>)
        tpu.yield
      }) : () -> ()
      %sub3A_75 = arith.subi %mul3A_2, %mul3A_69 : i32
      %jit3A_76 = arith.constant 16 : i32
      %div3A_77 = arith.divsi %sub3A_75, %jit3A_76 : i32
      %sign3A_78 = arith.constant 0 : i32
      %sign3A_79 = arith.cmpi sgt, %sub3A_75, %sign3A_78 : i32
      %sign3A_80 = arith.extui %sign3A_79 : i1 to i32
      %sign3A_81 = arith.constant 0 : i32
      %sign3A_82 = arith.cmpi slt, %sub3A_75, %sign3A_81 : i32
      %sign3A_83 = arith.extui %sign3A_82 : i1 to i32
      %sign3A_84 = arith.subi %sign3A_80, %sign3A_83 : i32
      %sign3A_85 = arith.constant 0 : i32
      %sign3A_86 = arith.cmpi sgt, %jit3A_76, %sign3A_85 : i32
      %sign3A_87 = arith.extui %sign3A_86 : i1 to i32
      %sign3A_88 = arith.constant 0 : i32
      %sign3A_89 = arith.cmpi slt, %jit3A_76, %sign3A_88 : i32
      %sign3A_90 = arith.extui %sign3A_89 : i1 to i32
      %sign3A_91 = arith.subi %sign3A_87, %sign3A_90 : i32
      %ne3A_92 = arith.cmpi ne, %sign3A_84, %sign3A_91 : i32
      %rem3A_93 = arith.remsi %sub3A_75, %jit3A_76 : i32
      %ne3A_94 = arith.constant 0 : i32
      %ne3A_95 = arith.cmpi ne, %rem3A_93, %ne3A_94 : i32
      %and3A_96 = arith.andi %ne3A_92, %ne3A_95 : i1
      %sub3A_97 = arith.constant 1 : i32
      %sub3A_98 = arith.subi %div3A_77, %sub3A_97 : i32
      %select_n3A_99 = arith.select %and3A_96, %sub3A_98, %div3A_77 : i32
      %max3A_100 = arith.constant 0 : i32
      %max3A_101 = arith.maxsi %select_n3A_99, %max3A_100 : i32
      %sub3A_102 = arith.subi %mul3A_6, %mul3A_69 : i32
      %add3A_103 = arith.constant 15 : i32
      %add3A_104 = arith.addi %sub3A_102, %add3A_103 : i32
      %jit3A_105 = arith.constant 16 : i32
      %div3A_106 = arith.divsi %add3A_104, %jit3A_105 : i32
      %sign3A_107 = arith.constant 0 : i32
      %sign3A_108 = arith.cmpi sgt, %add3A_104, %sign3A_107 : i32
      %sign3A_109 = arith.extui %sign3A_108 : i1 to i32
      %sign3A_110 = arith.constant 0 : i32
      %sign3A_111 = arith.cmpi slt, %add3A_104, %sign3A_110 : i32
      %sign3A_112 = arith.extui %sign3A_111 : i1 to i32
      %sign3A_113 = arith.subi %sign3A_109, %sign3A_112 : i32
      %sign3A_114 = arith.constant 0 : i32
      %sign3A_115 = arith.cmpi sgt, %jit3A_105, %sign3A_114 : i32
      %sign3A_116 = arith.extui %sign3A_115 : i1 to i32
      %sign3A_117 = arith.constant 0 : i32
      %sign3A_118 = arith.cmpi slt, %jit3A_105, %sign3A_117 : i32
      %sign3A_119 = arith.extui %sign3A_118 : i1 to i32
      %sign3A_120 = arith.subi %sign3A_116, %sign3A_119 : i32
      %ne3A_121 = arith.cmpi ne, %sign3A_113, %sign3A_120 : i32
      %rem3A_122 = arith.remsi %add3A_104, %jit3A_105 : i32
      %ne3A_123 = arith.constant 0 : i32
      %ne3A_124 = arith.cmpi ne, %rem3A_122, %ne3A_123 : i32
      %and3A_125 = arith.andi %ne3A_121, %ne3A_124 : i1
      %sub3A_126 = arith.constant 1 : i32
      %sub3A_127 = arith.subi %div3A_106, %sub3A_126 : i32
      %select_n3A_128 = arith.select %and3A_125, %sub3A_127, %div3A_106 : i32
      %min3A_129 = arith.constant 64 : i32
      %min3A_130 = arith.minsi %select_n3A_128, %min3A_129 : i32
      %while3A_131 = arith.subi %min3A_130, %max3A_101 : i32
      %while3A_132 = arith.addi %max3A_101, %while3A_131 : i32
      %while3A_133 = arith.constant 1 : i32
      %while3A_134 = arith.divsi %while3A_131, %while3A_133 : i32
      %while3A_135 = arith.muli %while3A_134, %while3A_133 : i32
      %while3A_136 = arith.addi %max3A_101, %while3A_135 : i32
      %while3A_137 = arith.constant 1 : i32
      %while3A_138 = scf.for %while3A_141 = %max3A_101 to %while3A_136 step %while3A_137 iter_args(%while3A_142 = %while3A_67) -> (i32)  : i32 {
        %add3A_143 = arith.addi %while3A_142, %while3A_141 : i32
        scf.yield %add3A_143 : i32
      }
      %while3A_139 = arith.constant 1 : i32
      %while3A_140 = scf.for %while3A_141 = %while3A_136 to %while3A_132 step %while3A_139 iter_args(%while3A_142 = %while3A_138) -> (i32)  : i32 {
        %add3A_143 = arith.addi %while3A_142, %while3A_141 : i32
        scf.yield %add3A_143 : i32
      }
      scf.yield %while3A_140 : i32
    }
    %while3A_63 = arith.constant 1 : i32
    %while3A_64 = scf.for %while3A_66 = %while3A_60 to %while3A_56 step %while3A_63 iter_args(%while3A_67 = %while3A_62) -> (i32)  : i32 {
      %mul3A_68 = arith.constant 1024 : i32
      %mul3A_69 = arith.muli %while3A_66, %mul3A_68 : i32
      %sub3A_70 = arith.constant 8 : i32
      %sub3A_71 = arith.subi %mul3A_69, %sub3A_70 : i32
      %max3A = arith.constant 0 : i32
      %max3A_72 = arith.maxsi %sub3A_71, %max3A : i32
      %min3A = arith.constant 158968 : i32
      %min3A_73 = arith.minsi %max3A_72, %min3A : i32
      %multiple_of3A_74 = tpu.assume_multiple %min3A_73, 8 : i32
      "tpu.region"() ({
        %run_scoped3A = tpu.sem_alloc : memref<!tpu.dma_semaphore, #tpu.memory_space<semaphore_mem>>
        %dma_start3A = arith.constant 0 : i32
        %dma_start3A_141 = tpu.memref_slice %arg6[%dma_start3A] : memref<1056xi32, #tpu.memory_space<vmem>> -> memref<1032xi32, #tpu.memory_space<vmem>>
        %dma_start3A_142 = tpu.memref_slice %arg2[%multiple_of3A_74] : memref<160000xi32, #tpu.memory_space<hbm>> -> memref<1032xi32, #tpu.memory_space<hbm>>
        %dma_start3A_143 = arith.constant 0 : i32
        %dma_start3A_144 = tpu.memref_slice %arg6[%dma_start3A_143] : memref<1056xi32, #tpu.memory_space<vmem>> -> memref<1032xi32, #tpu.memory_space<vmem>>
        %dma_start3A_145 = tpu.memref_slice %arg2[%multiple_of3A_74] : memref<160000xi32, #tpu.memory_space<hbm>> -> memref<1032xi32, #tpu.memory_space<hbm>>
        tpu.enqueue_dma source(%dma_start3A_145 : memref<1032xi32, #tpu.memory_space<hbm>>) target(%dma_start3A_144 : memref<1032xi32, #tpu.memory_space<vmem>>) target_semaphore(%run_scoped3A : memref<!tpu.dma_semaphore, #tpu.memory_space<semaphore_mem>>)
        %dma_wait3A = arith.constant 0 : i32
        %dma_wait3A_146 = tpu.memref_slice %arg6[%dma_wait3A] : memref<1056xi32, #tpu.memory_space<vmem>> -> memref<1032xi32, #tpu.memory_space<vmem>>
        %dma_wait3A_147 = tpu.memref_slice %arg2[%multiple_of3A_74] : memref<160000xi32, #tpu.memory_space<hbm>> -> memref<1032xi32, #tpu.memory_space<hbm>>
        %dma_wait3A_148 = arith.constant 0 : i32
        %dma_wait3A_149 = tpu.memref_slice %arg6[%dma_wait3A_148] : memref<1056xi32, #tpu.memory_space<vmem>> -> memref<1032xi32, #tpu.memory_space<vmem>>
        %dma_wait3A_150 = tpu.memref_slice %arg2[%multiple_of3A_74] : memref<160000xi32, #tpu.memory_space<hbm>> -> memref<1032xi32, #tpu.memory_space<hbm>>
        tpu.wait_dma2 semaphore(%run_scoped3A : memref<!tpu.dma_semaphore, #tpu.memory_space<semaphore_mem>>) src(%dma_wait3A_150 : memref<1032xi32, #tpu.memory_space<hbm>>) dst(%dma_wait3A_149 : memref<1032xi32, #tpu.memory_space<vmem>>)
        tpu.yield
      }) : () -> ()
      "tpu.region"() ({
        %run_scoped3A = tpu.sem_alloc : memref<!tpu.dma_semaphore, #tpu.memory_space<semaphore_mem>>
        %dma_start3A = arith.constant 0 : i32
        %dma_start3A_141 = tpu.memref_slice %arg7[%dma_start3A] : memref<1056xi32, #tpu.memory_space<vmem>> -> memref<1032xi32, #tpu.memory_space<vmem>>
        %dma_start3A_142 = tpu.memref_slice %arg3[%multiple_of3A_74] : memref<160000xi32, #tpu.memory_space<hbm>> -> memref<1032xi32, #tpu.memory_space<hbm>>
        %dma_start3A_143 = arith.constant 0 : i32
        %dma_start3A_144 = tpu.memref_slice %arg7[%dma_start3A_143] : memref<1056xi32, #tpu.memory_space<vmem>> -> memref<1032xi32, #tpu.memory_space<vmem>>
        %dma_start3A_145 = tpu.memref_slice %arg3[%multiple_of3A_74] : memref<160000xi32, #tpu.memory_space<hbm>> -> memref<1032xi32, #tpu.memory_space<hbm>>
        tpu.enqueue_dma source(%dma_start3A_145 : memref<1032xi32, #tpu.memory_space<hbm>>) target(%dma_start3A_144 : memref<1032xi32, #tpu.memory_space<vmem>>) target_semaphore(%run_scoped3A : memref<!tpu.dma_semaphore, #tpu.memory_space<semaphore_mem>>)
        %dma_wait3A = arith.constant 0 : i32
        %dma_wait3A_146 = tpu.memref_slice %arg7[%dma_wait3A] : memref<1056xi32, #tpu.memory_space<vmem>> -> memref<1032xi32, #tpu.memory_space<vmem>>
        %dma_wait3A_147 = tpu.memref_slice %arg3[%multiple_of3A_74] : memref<160000xi32, #tpu.memory_space<hbm>> -> memref<1032xi32, #tpu.memory_space<hbm>>
        %dma_wait3A_148 = arith.constant 0 : i32
        %dma_wait3A_149 = tpu.memref_slice %arg7[%dma_wait3A_148] : memref<1056xi32, #tpu.memory_space<vmem>> -> memref<1032xi32, #tpu.memory_space<vmem>>
        %dma_wait3A_150 = tpu.memref_slice %arg3[%multiple_of3A_74] : memref<160000xi32, #tpu.memory_space<hbm>> -> memref<1032xi32, #tpu.memory_space<hbm>>
        tpu.wait_dma2 semaphore(%run_scoped3A : memref<!tpu.dma_semaphore, #tpu.memory_space<semaphore_mem>>) src(%dma_wait3A_150 : memref<1032xi32, #tpu.memory_space<hbm>>) dst(%dma_wait3A_149 : memref<1032xi32, #tpu.memory_space<vmem>>)
        tpu.yield
      }) : () -> ()
      %sub3A_75 = arith.subi %mul3A_2, %mul3A_69 : i32
      %jit3A_76 = arith.constant 16 : i32
      %div3A_77 = arith.divsi %sub3A_75, %jit3A_76 : i32
      %sign3A_78 = arith.constant 0 : i32
      %sign3A_79 = arith.cmpi sgt, %sub3A_75, %sign3A_78 : i32
      %sign3A_80 = arith.extui %sign3A_79 : i1 to i32
      %sign3A_81 = arith.constant 0 : i32
      %sign3A_82 = arith.cmpi slt, %sub3A_75, %sign3A_81 : i32
      %sign3A_83 = arith.extui %sign3A_82 : i1 to i32
      %sign3A_84 = arith.subi %sign3A_80, %sign3A_83 : i32
      %sign3A_85 = arith.constant 0 : i32
      %sign3A_86 = arith.cmpi sgt, %jit3A_76, %sign3A_85 : i32
      %sign3A_87 = arith.extui %sign3A_86 : i1 to i32
      %sign3A_88 = arith.constant 0 : i32
      %sign3A_89 = arith.cmpi slt, %jit3A_76, %sign3A_88 : i32
      %sign3A_90 = arith.extui %sign3A_89 : i1 to i32
      %sign3A_91 = arith.subi %sign3A_87, %sign3A_90 : i32
      %ne3A_92 = arith.cmpi ne, %sign3A_84, %sign3A_91 : i32
      %rem3A_93 = arith.remsi %sub3A_75, %jit3A_76 : i32
      %ne3A_94 = arith.constant 0 : i32
      %ne3A_95 = arith.cmpi ne, %rem3A_93, %ne3A_94 : i32
      %and3A_96 = arith.andi %ne3A_92, %ne3A_95 : i1
      %sub3A_97 = arith.constant 1 : i32
      %sub3A_98 = arith.subi %div3A_77, %sub3A_97 : i32
      %select_n3A_99 = arith.select %and3A_96, %sub3A_98, %div3A_77 : i32
      %max3A_100 = arith.constant 0 : i32
      %max3A_101 = arith.maxsi %select_n3A_99, %max3A_100 : i32
      %sub3A_102 = arith.subi %mul3A_6, %mul3A_69 : i32
      %add3A_103 = arith.constant 15 : i32
      %add3A_104 = arith.addi %sub3A_102, %add3A_103 : i32
      %jit3A_105 = arith.constant 16 : i32
      %div3A_106 = arith.divsi %add3A_104, %jit3A_105 : i32
      %sign3A_107 = arith.constant 0 : i32
      %sign3A_108 = arith.cmpi sgt, %add3A_104, %sign3A_107 : i32
      %sign3A_109 = arith.extui %sign3A_108 : i1 to i32
      %sign3A_110 = arith.constant 0 : i32
      %sign3A_111 = arith.cmpi slt, %add3A_104, %sign3A_110 : i32
      %sign3A_112 = arith.extui %sign3A_111 : i1 to i32
      %sign3A_113 = arith.subi %sign3A_109, %sign3A_112 : i32
      %sign3A_114 = arith.constant 0 : i32
      %sign3A_115 = arith.cmpi sgt, %jit3A_105, %sign3A_114 : i32
      %sign3A_116 = arith.extui %sign3A_115 : i1 to i32
      %sign3A_117 = arith.constant 0 : i32
      %sign3A_118 = arith.cmpi slt, %jit3A_105, %sign3A_117 : i32
      %sign3A_119 = arith.extui %sign3A_118 : i1 to i32
      %sign3A_120 = arith.subi %sign3A_116, %sign3A_119 : i32
      %ne3A_121 = arith.cmpi ne, %sign3A_113, %sign3A_120 : i32
      %rem3A_122 = arith.remsi %add3A_104, %jit3A_105 : i32
      %ne3A_123 = arith.constant 0 : i32
      %ne3A_124 = arith.cmpi ne, %rem3A_122, %ne3A_123 : i32
      %and3A_125 = arith.andi %ne3A_121, %ne3A_124 : i1
      %sub3A_126 = arith.constant 1 : i32
      %sub3A_127 = arith.subi %div3A_106, %sub3A_126 : i32
      %select_n3A_128 = arith.select %and3A_125, %sub3A_127, %div3A_106 : i32
      %min3A_129 = arith.constant 64 : i32
      %min3A_130 = arith.minsi %select_n3A_128, %min3A_129 : i32
      %while3A_131 = arith.subi %min3A_130, %max3A_101 : i32
      %while3A_132 = arith.addi %max3A_101, %while3A_131 : i32
      %while3A_133 = arith.constant 1 : i32
      %while3A_134 = arith.divsi %while3A_131, %while3A_133 : i32
      %while3A_135 = arith.muli %while3A_134, %while3A_133 : i32
      %while3A_136 = arith.addi %max3A_101, %while3A_135 : i32
      %while3A_137 = arith.constant 1 : i32
      %while3A_138 = scf.for %while3A_141 = %max3A_101 to %while3A_136 step %while3A_137 iter_args(%while3A_142 = %while3A_67) -> (i32)  : i32 {
        %add3A_143 = arith.addi %while3A_142, %while3A_141 : i32
        scf.yield %add3A_143 : i32
      }
      %while3A_139 = arith.constant 1 : i32
      %while3A_140 = scf.for %while3A_141 = %while3A_136 to %while3A_132 step %while3A_139 iter_args(%while3A_142 = %while3A_138) -> (i32)  : i32 {
        %add3A_143 = arith.addi %while3A_142, %while3A_141 : i32
        scf.yield %add3A_143 : i32
      }
      scf.yield %while3A_140 : i32
    }
    %gt3A = arith.cmpi sgt, %mul3A_6, %mul3A_2 : i32
    %convert_element_type3A = arith.extui %gt3A : i1 to i32
    %cond3A = arith.constant 0 : i32
    %cond3A_65 = arith.cmpi ne, %convert_element_type3A, %cond3A : i32
    scf.if %cond3A_65 {
      %sub3A_66 = arith.constant 1 : i32
      %sub3A_67 = arith.subi %mul3A_6, %sub3A_66 : i32
      %jit3A_68 = arith.constant 1024 : i32
      %div3A_69 = arith.divsi %sub3A_67, %jit3A_68 : i32
      %sign3A_70 = arith.constant 0 : i32
      %sign3A_71 = arith.cmpi sgt, %sub3A_67, %sign3A_70 : i32
      %sign3A_72 = arith.extui %sign3A_71 : i1 to i32
      %sign3A_73 = arith.constant 0 : i32
      %sign3A_74 = arith.cmpi slt, %sub3A_67, %sign3A_73 : i32
      %sign3A_75 = arith.extui %sign3A_74 : i1 to i32
      %sign3A_76 = arith.subi %sign3A_72, %sign3A_75 : i32
      %sign3A_77 = arith.constant 0 : i32
      %sign3A_78 = arith.cmpi sgt, %jit3A_68, %sign3A_77 : i32
      %sign3A_79 = arith.extui %sign3A_78 : i1 to i32
      %sign3A_80 = arith.constant 0 : i32
      %sign3A_81 = arith.cmpi slt, %jit3A_68, %sign3A_80 : i32
      %sign3A_82 = arith.extui %sign3A_81 : i1 to i32
      %sign3A_83 = arith.subi %sign3A_79, %sign3A_82 : i32
      %ne3A_84 = arith.cmpi ne, %sign3A_76, %sign3A_83 : i32
      %rem3A_85 = arith.remsi %sub3A_67, %jit3A_68 : i32
      %ne3A_86 = arith.constant 0 : i32
      %ne3A_87 = arith.cmpi ne, %rem3A_85, %ne3A_86 : i32
      %and3A_88 = arith.andi %ne3A_84, %ne3A_87 : i1
      %sub3A_89 = arith.constant 1 : i32
      %sub3A_90 = arith.subi %div3A_69, %sub3A_89 : i32
      %select_n3A_91 = arith.select %and3A_88, %sub3A_90, %div3A_69 : i32
      %mul3A_92 = arith.constant 1024 : i32
      %mul3A_93 = arith.muli %select_n3A_91, %mul3A_92 : i32
      %sub3A_94 = arith.constant 8 : i32
      %sub3A_95 = arith.subi %mul3A_93, %sub3A_94 : i32
      %max3A = arith.constant 0 : i32
      %max3A_96 = arith.maxsi %sub3A_95, %max3A : i32
      %min3A = arith.constant 158968 : i32
      %min3A_97 = arith.minsi %max3A_96, %min3A : i32
      %sub3A_98 = arith.subi %sub3A_67, %min3A_97 : i32
      %get3A = arith.index_cast %sub3A_98 : i32 to index
      %get3A_99 = tpu.vector_load %arg7[%get3A] {strides = array<i32>} : memref<1056xi32, #tpu.memory_space<vmem>>, vector<16xi32>,
      %shift_right_arithmetic3A = arith.constant 3 : i32
      %shift_right_arithmetic3A_100 = vector.broadcast %shift_right_arithmetic3A : i32 to vector<16xi32>
      %shift_right_arithmetic3A_101 = arith.shrsi %get3A_99, %shift_right_arithmetic3A_100 : vector<16xi32>
      %iota3A_102 = tpu.iota {dimensions = array<i32: 0>} : vector<16xi32>
      %eq3A = arith.constant 0 : i32
      %eq3A_103 = vector.broadcast %eq3A : i32 to vector<16xi32>
      %eq3A_104 = arith.cmpi eq, %iota3A_102, %eq3A_103 : vector<16xi32>
      %shift_right_arithmetic3A_105 = arith.constant 0 : i32
      %shift_right_arithmetic3A_106 = vector.broadcast %shift_right_arithmetic3A_105 : i32 to vector<16xi32>
      %shift_right_arithmetic3A_107 = arith.shrsi %shift_right_arithmetic3A_101, %shift_right_arithmetic3A_106 : vector<16xi32>
      %and3A_108 = arith.constant 1 : i32
      %and3A_109 = vector.broadcast %and3A_108 : i32 to vector<16xi32>
      %and3A_110 = arith.andi %shift_right_arithmetic3A_107, %and3A_109 : vector<16xi32>
      %eq3A_111 = arith.constant 1 : i32
      %eq3A_112 = vector.broadcast %eq3A_111 : i32 to vector<16xi32>
      %eq3A_113 = arith.cmpi eq, %and3A_110, %eq3A_112 : vector<16xi32>
      %and3A_114 = arith.andi %eq3A_104, %eq3A_113 : vector<16xi1>
      %reduce_or3A = arith.constant 1.000000e+00 : f32
      %reduce_or3A_115 = arith.constant 0.000000e+00 : f32
      %reduce_or3A_116 = vector.broadcast %reduce_or3A : f32 to vector<16xf32>
      %reduce_or3A_117 = vector.broadcast %reduce_or3A_115 : f32 to vector<16xf32>
      %reduce_or3A_118 = arith.select %and3A_114, %reduce_or3A_116, %reduce_or3A_117 : vector<16xi1>, vector<16xf32>
      %reduce_or3A_119 = arith.constant true
      %reduce_or3A_120 = vector.broadcast %reduce_or3A_119 : i1 to vector<16xi1>
      %reduce_or3A_121 = tpu.scan <max>, %reduce_or3A_118 masked %reduce_or3A_120 : vector<16xf32>, vector<16xi1> -> vector<16xf32>
      %reduce_or3A_122 = vector.extract %reduce_or3A_121[15] : f32 from vector<16xf32>
      %reduce_or3A_123 = arith.constant 0.000000e+00 : f32
      %reduce_or3A_124 = arith.cmpf ogt, %reduce_or3A_122, %reduce_or3A_123 : f32
      %jit3A_125 = arith.constant 1 : i32
      %jit3A_126 = arith.constant 0 : i32
      %select_n3A_127 = arith.select %reduce_or3A_124, %jit3A_125, %jit3A_126 : i32
      %add3A_128 = arith.constant 0 : i32
      %add3A_129 = arith.addi %add3A_128, %select_n3A_127 : i32
      %shift_right_arithmetic3A_130 = arith.constant 1 : i32
      %shift_right_arithmetic3A_131 = vector.broadcast %shift_right_arithmetic3A_130 : i32 to vector<16xi32>
      %shift_right_arithmetic3A_132 = arith.shrsi %shift_right_arithmetic3A_101, %shift_right_arithmetic3A_131 : vector<16xi32>
      %and3A_133 = arith.constant 1 : i32
      %and3A_134 = vector.broadcast %and3A_133 : i32 to vector<16xi32>
      %and3A_135 = arith.andi %shift_right_arithmetic3A_132, %and3A_134 : vector<16xi32>
      %eq3A_136 = arith.constant 1 : i32
      %eq3A_137 = vector.broadcast %eq3A_136 : i32 to vector<16xi32>
      %eq3A_138 = arith.cmpi eq, %and3A_135, %eq3A_137 : vector<16xi32>
      %and3A_139 = arith.andi %eq3A_104, %eq3A_138 : vector<16xi1>
      %reduce_or3A_140 = arith.constant 1.000000e+00 : f32
      %reduce_or3A_141 = arith.constant 0.000000e+00 : f32
      %reduce_or3A_142 = vector.broadcast %reduce_or3A_140 : f32 to vector<16xf32>
      %reduce_or3A_143 = vector.broadcast %reduce_or3A_141 : f32 to vector<16xf32>
      %reduce_or3A_144 = arith.select %and3A_139, %reduce_or3A_142, %reduce_or3A_143 : vector<16xi1>, vector<16xf32>
      %reduce_or3A_145 = arith.constant true
      %reduce_or3A_146 = vector.broadcast %reduce_or3A_145 : i1 to vector<16xi1>
      %reduce_or3A_147 = tpu.scan <max>, %reduce_or3A_144 masked %reduce_or3A_146 : vector<16xf32>, vector<16xi1> -> vector<16xf32>
      %reduce_or3A_148 = vector.extract %reduce_or3A_147[15] : f32 from vector<16xf32>
      %reduce_or3A_149 = arith.constant 0.000000e+00 : f32
      %reduce_or3A_150 = arith.cmpf ogt, %reduce_or3A_148, %reduce_or3A_149 : f32
      %jit3A_151 = arith.constant 2 : i32
      %jit3A_152 = arith.constant 0 : i32
      %select_n3A_153 = arith.select %reduce_or3A_150, %jit3A_151, %jit3A_152 : i32
      %add3A_154 = arith.addi %add3A_129, %select_n3A_153 : i32
      %shift_right_arithmetic3A_155 = arith.constant 2 : i32
      %shift_right_arithmetic3A_156 = vector.broadcast %shift_right_arithmetic3A_155 : i32 to vector<16xi32>
      %shift_right_arithmetic3A_157 = arith.shrsi %shift_right_arithmetic3A_101, %shift_right_arithmetic3A_156 : vector<16xi32>
      %and3A_158 = arith.constant 1 : i32
      %and3A_159 = vector.broadcast %and3A_158 : i32 to vector<16xi32>
      %and3A_160 = arith.andi %shift_right_arithmetic3A_157, %and3A_159 : vector<16xi32>
      %eq3A_161 = arith.constant 1 : i32
      %eq3A_162 = vector.broadcast %eq3A_161 : i32 to vector<16xi32>
      %eq3A_163 = arith.cmpi eq, %and3A_160, %eq3A_162 : vector<16xi32>
      %and3A_164 = arith.andi %eq3A_104, %eq3A_163 : vector<16xi1>
      %reduce_or3A_165 = arith.constant 1.000000e+00 : f32
      %reduce_or3A_166 = arith.constant 0.000000e+00 : f32
      %reduce_or3A_167 = vector.broadcast %reduce_or3A_165 : f32 to vector<16xf32>
      %reduce_or3A_168 = vector.broadcast %reduce_or3A_166 : f32 to vector<16xf32>
      %reduce_or3A_169 = arith.select %and3A_164, %reduce_or3A_167, %reduce_or3A_168 : vector<16xi1>, vector<16xf32>
      %reduce_or3A_170 = arith.constant true
      %reduce_or3A_171 = vector.broadcast %reduce_or3A_170 : i1 to vector<16xi1>
      %reduce_or3A_172 = tpu.scan <max>, %reduce_or3A_169 masked %reduce_or3A_171 : vector<16xf32>, vector<16xi1> -> vector<16xf32>
      %reduce_or3A_173 = vector.extract %reduce_or3A_172[15] : f32 from vector<16xf32>
      %reduce_or3A_174 = arith.constant 0.000000e+00 : f32
      %reduce_or3A_175 = arith.cmpf ogt, %reduce_or3A_173, %reduce_or3A_174 : f32
      %jit3A_176 = arith.constant 4 : i32
      %jit3A_177 = arith.constant 0 : i32
      %select_n3A_178 = arith.select %reduce_or3A_175, %jit3A_176, %jit3A_177 : i32
      %add3A_179 = arith.addi %add3A_154, %select_n3A_178 : i32
      %shift_right_arithmetic3A_180 = arith.constant 3 : i32
      %shift_right_arithmetic3A_181 = vector.broadcast %shift_right_arithmetic3A_180 : i32 to vector<16xi32>
      %shift_right_arithmetic3A_182 = arith.shrsi %shift_right_arithmetic3A_101, %shift_right_arithmetic3A_181 : vector<16xi32>
      %and3A_183 = arith.constant 1 : i32
      %and3A_184 = vector.broadcast %and3A_183 : i32 to vector<16xi32>
      %and3A_185 = arith.andi %shift_right_arithmetic3A_182, %and3A_184 : vector<16xi32>
      %eq3A_186 = arith.constant 1 : i32
      %eq3A_187 = vector.broadcast %eq3A_186 : i32 to vector<16xi32>
      %eq3A_188 = arith.cmpi eq, %and3A_185, %eq3A_187 : vector<16xi32>
      %and3A_189 = arith.andi %eq3A_104, %eq3A_188 : vector<16xi1>
      %reduce_or3A_190 = arith.constant 1.000000e+00 : f32
      %reduce_or3A_191 = arith.constant 0.000000e+00 : f32
      %reduce_or3A_192 = vector.broadcast %reduce_or3A_190 : f32 to vector<16xf32>
      %reduce_or3A_193 = vector.broadcast %reduce_or3A_191 : f32 to vector<16xf32>
      %reduce_or3A_194 = arith.select %and3A_189, %reduce_or3A_192, %reduce_or3A_193 : vector<16xi1>, vector<16xf32>
      %reduce_or3A_195 = arith.constant true
      %reduce_or3A_196 = vector.broadcast %reduce_or3A_195 : i1 to vector<16xi1>
      %reduce_or3A_197 = tpu.scan <max>, %reduce_or3A_194 masked %reduce_or3A_196 : vector<16xf32>, vector<16xi1> -> vector<16xf32>
      %reduce_or3A_198 = vector.extract %reduce_or3A_197[15] : f32 from vector<16xf32>
      %reduce_or3A_199 = arith.constant 0.000000e+00 : f32
      %reduce_or3A_200 = arith.cmpf ogt, %reduce_or3A_198, %reduce_or3A_199 : f32
      %jit3A_201 = arith.constant 8 : i32
      %jit3A_202 = arith.constant 0 : i32
      %select_n3A_203 = arith.select %reduce_or3A_200, %jit3A_201, %jit3A_202 : i32
      %add3A_204 = arith.addi %add3A_179, %select_n3A_203 : i32
      %shift_right_arithmetic3A_205 = arith.constant 4 : i32
      %shift_right_arithmetic3A_206 = vector.broadcast %shift_right_arithmetic3A_205 : i32 to vector<16xi32>
      %shift_right_arithmetic3A_207 = arith.shrsi %shift_right_arithmetic3A_101, %shift_right_arithmetic3A_206 : vector<16xi32>
      %and3A_208 = arith.constant 1 : i32
      %and3A_209 = vector.broadcast %and3A_208 : i32 to vector<16xi32>
      %and3A_210 = arith.andi %shift_right_arithmetic3A_207, %and3A_209 : vector<16xi32>
      %eq3A_211 = arith.constant 1 : i32
      %eq3A_212 = vector.broadcast %eq3A_211 : i32 to vector<16xi32>
      %eq3A_213 = arith.cmpi eq, %and3A_210, %eq3A_212 : vector<16xi32>
      %and3A_214 = arith.andi %eq3A_104, %eq3A_213 : vector<16xi1>
      %reduce_or3A_215 = arith.constant 1.000000e+00 : f32
      %reduce_or3A_216 = arith.constant 0.000000e+00 : f32
      %reduce_or3A_217 = vector.broadcast %reduce_or3A_215 : f32 to vector<16xf32>
      %reduce_or3A_218 = vector.broadcast %reduce_or3A_216 : f32 to vector<16xf32>
      %reduce_or3A_219 = arith.select %and3A_214, %reduce_or3A_217, %reduce_or3A_218 : vector<16xi1>, vector<16xf32>
      %reduce_or3A_220 = arith.constant true
      %reduce_or3A_221 = vector.broadcast %reduce_or3A_220 : i1 to vector<16xi1>
      %reduce_or3A_222 = tpu.scan <max>, %reduce_or3A_219 masked %reduce_or3A_221 : vector<16xf32>, vector<16xi1> -> vector<16xf32>
      %reduce_or3A_223 = vector.extract %reduce_or3A_222[15] : f32 from vector<16xf32>
      %reduce_or3A_224 = arith.constant 0.000000e+00 : f32
      %reduce_or3A_225 = arith.cmpf ogt, %reduce_or3A_223, %reduce_or3A_224 : f32
      %jit3A_226 = arith.constant 16 : i32
      %jit3A_227 = arith.constant 0 : i32
      %select_n3A_228 = arith.select %reduce_or3A_225, %jit3A_226, %jit3A_227 : i32
      %add3A_229 = arith.addi %add3A_204, %select_n3A_228 : i32
      %shift_right_arithmetic3A_230 = arith.constant 5 : i32
      %shift_right_arithmetic3A_231 = vector.broadcast %shift_right_arithmetic3A_230 : i32 to vector<16xi32>
      %shift_right_arithmetic3A_232 = arith.shrsi %shift_right_arithmetic3A_101, %shift_right_arithmetic3A_231 : vector<16xi32>
      %and3A_233 = arith.constant 1 : i32
      %and3A_234 = vector.broadcast %and3A_233 : i32 to vector<16xi32>
      %and3A_235 = arith.andi %shift_right_arithmetic3A_232, %and3A_234 : vector<16xi32>
      %eq3A_236 = arith.constant 1 : i32
      %eq3A_237 = vector.broadcast %eq3A_236 : i32 to vector<16xi32>
      %eq3A_238 = arith.cmpi eq, %and3A_235, %eq3A_237 : vector<16xi32>
      %and3A_239 = arith.andi %eq3A_104, %eq3A_238 : vector<16xi1>
      %reduce_or3A_240 = arith.constant 1.000000e+00 : f32
      %reduce_or3A_241 = arith.constant 0.000000e+00 : f32
      %reduce_or3A_242 = vector.broadcast %reduce_or3A_240 : f32 to vector<16xf32>
      %reduce_or3A_243 = vector.broadcast %reduce_or3A_241 : f32 to vector<16xf32>
      %reduce_or3A_244 = arith.select %and3A_239, %reduce_or3A_242, %reduce_or3A_243 : vector<16xi1>, vector<16xf32>
      %reduce_or3A_245 = arith.constant true
      %reduce_or3A_246 = vector.broadcast %reduce_or3A_245 : i1 to vector<16xi1>
      %reduce_or3A_247 = tpu.scan <max>, %reduce_or3A_244 masked %reduce_or3A_246 : vector<16xf32>, vector<16xi1> -> vector<16xf32>
      %reduce_or3A_248 = vector.extract %reduce_or3A_247[15] : f32 from vector<16xf32>
      %reduce_or3A_249 = arith.constant 0.000000e+00 : f32
      %reduce_or3A_250 = arith.cmpf ogt, %reduce_or3A_248, %reduce_or3A_249 : f32
      %jit3A_251 = arith.constant 32 : i32
      %jit3A_252 = arith.constant 0 : i32
      %select_n3A_253 = arith.select %reduce_or3A_250, %jit3A_251, %jit3A_252 : i32
      %add3A_254 = arith.addi %add3A_229, %select_n3A_253 : i32
      %shift_right_arithmetic3A_255 = arith.constant 6 : i32
      %shift_right_arithmetic3A_256 = vector.broadcast %shift_right_arithmetic3A_255 : i32 to vector<16xi32>
      %shift_right_arithmetic3A_257 = arith.shrsi %shift_right_arithmetic3A_101, %shift_right_arithmetic3A_256 : vector<16xi32>
      %and3A_258 = arith.constant 1 : i32
      %and3A_259 = vector.broadcast %and3A_258 : i32 to vector<16xi32>
      %and3A_260 = arith.andi %shift_right_arithmetic3A_257, %and3A_259 : vector<16xi32>
      %eq3A_261 = arith.constant 1 : i32
      %eq3A_262 = vector.broadcast %eq3A_261 : i32 to vector<16xi32>
      %eq3A_263 = arith.cmpi eq, %and3A_260, %eq3A_262 : vector<16xi32>
      %and3A_264 = arith.andi %eq3A_104, %eq3A_263 : vector<16xi1>
      %reduce_or3A_265 = arith.constant 1.000000e+00 : f32
      %reduce_or3A_266 = arith.constant 0.000000e+00 : f32
      %reduce_or3A_267 = vector.broadcast %reduce_or3A_265 : f32 to vector<16xf32>
      %reduce_or3A_268 = vector.broadcast %reduce_or3A_266 : f32 to vector<16xf32>
      %reduce_or3A_269 = arith.select %and3A_264, %reduce_or3A_267, %reduce_or3A_268 : vector<16xi1>, vector<16xf32>
      %reduce_or3A_270 = arith.constant true
      %reduce_or3A_271 = vector.broadcast %reduce_or3A_270 : i1 to vector<16xi1>
      %reduce_or3A_272 = tpu.scan <max>, %reduce_or3A_269 masked %reduce_or3A_271 : vector<16xf32>, vector<16xi1> -> vector<16xf32>
      %reduce_or3A_273 = vector.extract %reduce_or3A_272[15] : f32 from vector<16xf32>
      %reduce_or3A_274 = arith.constant 0.000000e+00 : f32
      %reduce_or3A_275 = arith.cmpf ogt, %reduce_or3A_273, %reduce_or3A_274 : f32
      %jit3A_276 = arith.constant 64 : i32
      %jit3A_277 = arith.constant 0 : i32
      %select_n3A_278 = arith.select %reduce_or3A_275, %jit3A_276, %jit3A_277 : i32
      %add3A_279 = arith.addi %add3A_254, %select_n3A_278 : i32
      %shift_right_arithmetic3A_280 = arith.constant 7 : i32
      %shift_right_arithmetic3A_281 = vector.broadcast %shift_right_arithmetic3A_280 : i32 to vector<16xi32>
      %shift_right_arithmetic3A_282 = arith.shrsi %shift_right_arithmetic3A_101, %shift_right_arithmetic3A_281 : vector<16xi32>
      %and3A_283 = arith.constant 1 : i32
      %and3A_284 = vector.broadcast %and3A_283 : i32 to vector<16xi32>
      %and3A_285 = arith.andi %shift_right_arithmetic3A_282, %and3A_284 : vector<16xi32>
      %eq3A_286 = arith.constant 1 : i32
      %eq3A_287 = vector.broadcast %eq3A_286 : i32 to vector<16xi32>
      %eq3A_288 = arith.cmpi eq, %and3A_285, %eq3A_287 : vector<16xi32>
      %and3A_289 = arith.andi %eq3A_104, %eq3A_288 : vector<16xi1>
      %reduce_or3A_290 = arith.constant 1.000000e+00 : f32
      %reduce_or3A_291 = arith.constant 0.000000e+00 : f32
      %reduce_or3A_292 = vector.broadcast %reduce_or3A_290 : f32 to vector<16xf32>
      %reduce_or3A_293 = vector.broadcast %reduce_or3A_291 : f32 to vector<16xf32>
      %reduce_or3A_294 = arith.select %and3A_289, %reduce_or3A_292, %reduce_or3A_293 : vector<16xi1>, vector<16xf32>
      %reduce_or3A_295 = arith.constant true
      %reduce_or3A_296 = vector.broadcast %reduce_or3A_295 : i1 to vector<16xi1>
      %reduce_or3A_297 = tpu.scan <max>, %reduce_or3A_294 masked %reduce_or3A_296 : vector<16xf32>, vector<16xi1> -> vector<16xf32>
      %reduce_or3A_298 = vector.extract %reduce_or3A_297[15] : f32 from vector<16xf32>
      %reduce_or3A_299 = arith.constant 0.000000e+00 : f32
      %reduce_or3A_300 = arith.cmpf ogt, %reduce_or3A_298, %reduce_or3A_299 : f32
      %jit3A_301 = arith.constant 128 : i32
      %jit3A_302 = arith.constant 0 : i32
      %select_n3A_303 = arith.select %reduce_or3A_300, %jit3A_301, %jit3A_302 : i32
      %add3A_304 = arith.addi %add3A_279, %select_n3A_303 : i32
      %mul3A_305 = arith.constant 8 : i32
      %mul3A_306 = arith.muli %add3A_304, %mul3A_305 : i32
      %mul3A_307 = arith.constant 10240 : i32
      %mul3A_308 = arith.muli %mul3A_306, %mul3A_307 : i32
      %multiple_of3A_309 = tpu.assume_multiple %mul3A_308, 8 : i32
      "tpu.region"() ({
        %run_scoped3A = tpu.sem_alloc : memref<!tpu.dma_semaphore, #tpu.memory_space<semaphore_mem>>
        %dma_start3A = tpu.memref_slice %arg5[%multiple_of3A_309] : memref<20971520xf32, #tpu.memory_space<hbm>> -> memref<81920xf32, #tpu.memory_space<hbm>>
        %dma_start3A_310 = tpu.memref_slice %arg5[%multiple_of3A_309] : memref<20971520xf32, #tpu.memory_space<hbm>> -> memref<81920xf32, #tpu.memory_space<hbm>>
        tpu.enqueue_dma source(%arg9 : memref<81920xf32, #tpu.memory_space<vmem>>) target(%dma_start3A_310 : memref<81920xf32, #tpu.memory_space<hbm>>) target_semaphore(%run_scoped3A : memref<!tpu.dma_semaphore, #tpu.memory_space<semaphore_mem>>)
        %dma_wait3A = tpu.memref_slice %arg5[%multiple_of3A_309] : memref<20971520xf32, #tpu.memory_space<hbm>> -> memref<81920xf32, #tpu.memory_space<hbm>>
        %dma_wait3A_311 = tpu.memref_slice %arg5[%multiple_of3A_309] : memref<20971520xf32, #tpu.memory_space<hbm>> -> memref<81920xf32, #tpu.memory_space<hbm>>
        tpu.wait_dma2 semaphore(%run_scoped3A : memref<!tpu.dma_semaphore, #tpu.memory_space<semaphore_mem>>) src(%arg9 : memref<81920xf32, #tpu.memory_space<vmem>>) dst(%dma_wait3A_311 : memref<81920xf32, #tpu.memory_space<hbm>>)
        tpu.yield
      }) : () -> ()
    } else {
    }
    return
  }
}

module attributes {stable_mosaic.version = 14 : i64} {
  func.func @_he_tc_body(%arg0: i32, %arg1: memref<256x10240xf32, #tpu.memory_space<vmem>>, %arg2: memref<10240x384xf32, #tpu.memory_space<vmem>>, %arg3: memref<256x256xf32, #tpu.memory_space<vmem>>, %arg4: memref<1x256xf32, #tpu.memory_space<vmem>>, %arg5: memref<256x384xf32, #tpu.memory_space<vmem>>) attributes {dimension_semantics = [#tpu.dimension_semantics<arbitrary>], iteration_bounds = array<i64: 8>, scalar_prefetch = 0 : i64, scratch_operands = 0 : i64, tpu.core_type = #tpu.core_type<tc>, window_params = [{transform_indices = @transform_0, window_bounds = array<i64: 256, 10240>}, {pipeline_mode = #tpu.pipeline_mode<synchronous>, transform_indices = @transform_1, window_bounds = array<i64: 10240, 384>}, {pipeline_mode = #tpu.pipeline_mode<synchronous>, transform_indices = @transform_2, window_bounds = array<i64: 256, 256>}, {pipeline_mode = #tpu.pipeline_mode<synchronous>, transform_indices = @transform_3, window_bounds = array<i64: 1, 256>}, {transform_indices = @transform_4, window_bounds = array<i64: 256, 384>}]} {
    %get3A = arith.constant 0 : index
    %get3A_0 = arith.constant 0 : index
    %get3A_1 = vector.load %arg1[%get3A, %get3A_0] : memref<256x10240xf32, #tpu.memory_space<vmem>>, vector<256x10240xf32>
    %get3A_2 = arith.constant 0 : index
    %get3A_3 = arith.constant 0 : index
    %get3A_4 = vector.load %arg2[%get3A_2, %get3A_3] : memref<10240x384xf32, #tpu.memory_space<vmem>>, vector<10240x384xf32>
    %dot_general3A = arith.constant dense<0.000000e+00> : vector<256x384xf32>
    %dot_general3A_5 = tpu.matmul %get3A_1, %get3A_4, %dot_general3A {dimension_numbers = #tpu.dot_dimension_numbers<[1], [0], [0], [1], [0, 0, 1, 1], [], []>, transpose_lhs_hint = false} : vector<256x10240xf32>, vector<10240x384xf32>, vector<256x384xf32> -> vector<256x384xf32>
    %slice3A = vector.extract_strided_slice %dot_general3A_5 {offsets = [0, 256], sizes = [256, 1], strides = [1, 1]} : vector<256x384xf32> to vector<256x1xf32>
    %max3A = arith.constant 1.000000e+00 : f32
    %max3A_6 = vector.broadcast %max3A : f32 to vector<256x1xf32>
    %max3A_7 = arith.maximumf %slice3A, %max3A_6 : vector<256x1xf32>
    %slice3A_8 = vector.extract_strided_slice %dot_general3A_5 {offsets = [0, 0], sizes = [256, 256], strides = [1, 1]} : vector<256x384xf32> to vector<256x256xf32>
    %div3A = vector.broadcast %max3A_7 : vector<256x1xf32> to vector<256x256xf32>
    %div3A_9 = arith.divf %slice3A_8, %div3A : vector<256x256xf32>
    %get3A_10 = arith.constant 0 : index
    %get3A_11 = arith.constant 0 : index
    %get3A_12 = vector.load %arg3[%get3A_10, %get3A_11] : memref<256x256xf32, #tpu.memory_space<vmem>>, vector<256x256xf32>
    %dot_general3A_13 = arith.constant dense<0.000000e+00> : vector<256x256xf32>
    %dot_general3A_14 = tpu.matmul %div3A_9, %get3A_12, %dot_general3A_13 {dimension_numbers = #tpu.dot_dimension_numbers<[1], [0], [0], [1], [0, 0, 1, 1], [], []>, transpose_lhs_hint = false} : vector<256x256xf32>, vector<256x256xf32>, vector<256x256xf32> -> vector<256x256xf32>
    %get3A_15 = arith.constant 0 : index
    %get3A_16 = arith.constant 0 : index
    %get3A_17 = vector.load %arg4[%get3A_15, %get3A_16] : memref<1x256xf32, #tpu.memory_space<vmem>>, vector<1x256xf32>
    %add3A = vector.broadcast %get3A_17 : vector<1x256xf32> to vector<256x256xf32>
    %add3A_18 = arith.addf %dot_general3A_14, %add3A : vector<256x256xf32>
    %max3A_19 = arith.constant 0.000000e+00 : f32
    %max3A_20 = vector.broadcast %max3A_19 : f32 to vector<256x256xf32>
    %max3A_21 = arith.maximumf %add3A_18, %max3A_20 : vector<256x256xf32>
    %iota3A = tpu.iota {dimensions = array<i32: 1>} : vector<256x128xi32>
    %eq3A = arith.constant 0 : i32
    %eq3A_22 = vector.broadcast %eq3A : i32 to vector<256x128xi32>
    %eq3A_23 = arith.cmpi eq, %iota3A, %eq3A_22 : vector<256x128xi32>
    %jit3A = arith.constant 1.000000e+00 : f32
    %jit3A_24 = arith.constant 0.000000e+00 : f32
    %broadcast_in_dim3A = vector.broadcast %jit3A : f32 to vector<256x128xf32>
    %broadcast_in_dim3A_25 = vector.broadcast %jit3A_24 : f32 to vector<256x128xf32>
    %select_n3A = arith.select %eq3A_23, %broadcast_in_dim3A, %broadcast_in_dim3A_25 : vector<256x128xi1>, vector<256x128xf32>
    %concatenate3A = tpu.concatenate %max3A_21, %select_n3A in 1 : vector<256x256xf32>, vector<256x128xf32> -> vector<256x384xf32>
    %swap3A = arith.constant 0 : index
    %swap3A_26 = arith.constant 0 : index
    %swap3A_27 = vector.load %arg5[%swap3A, %swap3A_26] : memref<256x384xf32, #tpu.memory_space<vmem>>, vector<256x384xf32>
    tpu.vector_store %arg5[%swap3A, %swap3A_26], %concatenate3A {strides = array<i32>} : memref<256x384xf32, #tpu.memory_space<vmem>>, vector<256x384xf32>,
    return
  }
  func.func @transform_0(%arg0: i32) -> (i32, i32) {
    %c0_i32 = arith.constant 0 : i32
    %c0_i32_0 = arith.constant 0 : i32
    return %arg0, %c0_i32 : i32, i32
  }
  func.func @transform_1(%arg0: i32) -> (i32, i32) {
    %c0_i32 = arith.constant 0 : i32
    %c0_i32_0 = arith.constant 0 : i32
    %c0_i32_1 = arith.constant 0 : i32
    return %c0_i32, %c0_i32_0 : i32, i32
  }
  func.func @transform_2(%arg0: i32) -> (i32, i32) {
    %c0_i32 = arith.constant 0 : i32
    %c0_i32_0 = arith.constant 0 : i32
    %c0_i32_1 = arith.constant 0 : i32
    return %c0_i32, %c0_i32_0 : i32, i32
  }
  func.func @transform_3(%arg0: i32) -> (i32, i32) {
    %c0_i32 = arith.constant 0 : i32
    %c0_i32_0 = arith.constant 0 : i32
    %c0_i32_1 = arith.constant 0 : i32
    return %c0_i32, %c0_i32_0 : i32, i32
  }
  func.func @transform_4(%arg0: i32) -> (i32, i32) {
    %c0_i32 = arith.constant 0 : i32
    %c0_i32_0 = arith.constant 0 : i32
    return %arg0, %c0_i32 : i32, i32
  }
}

module attributes {stable_mosaic.version = 14 : i64} {
  func.func @_final_tc_body(%arg0: i32, %arg1: memref<256x256xf32, #tpu.memory_space<vmem>>, %arg2: memref<2048x256xf32, #tpu.memory_space<vmem>>, %arg3: memref<2048x384xf32, #tpu.memory_space<vmem>>, %arg4: memref<256x256xf32, #tpu.memory_space<vmem>>, %arg5: memref<1x256xf32, #tpu.memory_space<vmem>>, %arg6: memref<256x256xf32, #tpu.memory_space<vmem>>, %arg7: memref<1x256xf32, #tpu.memory_space<vmem>>, %arg8: memref<256x128xf32, #tpu.memory_space<vmem>>, %arg9: memref<1x128xf32, #tpu.memory_space<vmem>>, %arg10: memref<128x40xf32, #tpu.memory_space<vmem>>, %arg11: memref<1x40xf32, #tpu.memory_space<vmem>>, %arg12: memref<256x40xf32, #tpu.memory_space<vmem>>) attributes {dimension_semantics = [#tpu.dimension_semantics<arbitrary>], iteration_bounds = array<i64: 40>, scalar_prefetch = 0 : i64, scratch_operands = 0 : i64, tpu.core_type = #tpu.core_type<tc>, window_params = [{transform_indices = @transform_0, window_bounds = array<i64: 256, 256>}, {transform_indices = @transform_1, window_bounds = array<i64: 2048, 256>}, {pipeline_mode = #tpu.pipeline_mode<synchronous>, transform_indices = @transform_2, window_bounds = array<i64: 2048, 384>}, {pipeline_mode = #tpu.pipeline_mode<synchronous>, transform_indices = @transform_3, window_bounds = array<i64: 256, 256>}, {pipeline_mode = #tpu.pipeline_mode<synchronous>, transform_indices = @transform_4, window_bounds = array<i64: 1, 256>}, {pipeline_mode = #tpu.pipeline_mode<synchronous>, transform_indices = @transform_5, window_bounds = array<i64: 256, 256>}, {pipeline_mode = #tpu.pipeline_mode<synchronous>, transform_indices = @transform_6, window_bounds = array<i64: 1, 256>}, {pipeline_mode = #tpu.pipeline_mode<synchronous>, transform_indices = @transform_7, window_bounds = array<i64: 256, 128>}, {pipeline_mode = #tpu.pipeline_mode<synchronous>, transform_indices = @transform_8, window_bounds = array<i64: 1, 128>}, {pipeline_mode = #tpu.pipeline_mode<synchronous>, transform_indices = @transform_9, window_bounds = array<i64: 128, 40>}, {pipeline_mode = #tpu.pipeline_mode<synchronous>, transform_indices = @transform_10, window_bounds = array<i64: 1, 40>}, {transform_indices = @transform_11, window_bounds = array<i64: 256, 40>}]} {
    %get3A = arith.constant 0 : index
    %get3A_0 = arith.constant 0 : index
    %get3A_1 = vector.load %arg2[%get3A, %get3A_0] : memref<2048x256xf32, #tpu.memory_space<vmem>>, vector<2048x256xf32>
    %get3A_2 = arith.constant 0 : index
    %get3A_3 = arith.constant 0 : index
    %get3A_4 = vector.load %arg3[%get3A_2, %get3A_3] : memref<2048x384xf32, #tpu.memory_space<vmem>>, vector<2048x384xf32>
    %dot_general3A = arith.constant dense<0.000000e+00> : vector<256x384xf32>
    %dot_general3A_5 = tpu.matmul %get3A_1, %get3A_4, %dot_general3A {dimension_numbers = #tpu.dot_dimension_numbers<[0], [0], [1], [1], [0, 1, 1, 1], [], []>, transpose_lhs_hint = false} : vector<2048x256xf32>, vector<2048x384xf32>, vector<256x384xf32> -> vector<256x384xf32>
    %slice3A = vector.extract_strided_slice %dot_general3A_5 {offsets = [0, 256], sizes = [256, 1], strides = [1, 1]} : vector<256x384xf32> to vector<256x1xf32>
    %max3A = arith.constant 1.000000e+00 : f32
    %max3A_6 = vector.broadcast %max3A : f32 to vector<256x1xf32>
    %max3A_7 = arith.maximumf %slice3A, %max3A_6 : vector<256x1xf32>
    %slice3A_8 = vector.extract_strided_slice %dot_general3A_5 {offsets = [0, 0], sizes = [256, 256], strides = [1, 1]} : vector<256x384xf32> to vector<256x256xf32>
    %div3A = vector.broadcast %max3A_7 : vector<256x1xf32> to vector<256x256xf32>
    %div3A_9 = arith.divf %slice3A_8, %div3A : vector<256x256xf32>
    %get3A_10 = arith.constant 0 : index
    %get3A_11 = arith.constant 0 : index
    %get3A_12 = vector.load %arg6[%get3A_10, %get3A_11] : memref<256x256xf32, #tpu.memory_space<vmem>>, vector<256x256xf32>
    %dot_general3A_13 = arith.constant dense<0.000000e+00> : vector<256x256xf32>
    %dot_general3A_14 = tpu.matmul %div3A_9, %get3A_12, %dot_general3A_13 {dimension_numbers = #tpu.dot_dimension_numbers<[1], [0], [0], [1], [0, 0, 1, 1], [], []>, transpose_lhs_hint = false} : vector<256x256xf32>, vector<256x256xf32>, vector<256x256xf32> -> vector<256x256xf32>
    %get3A_15 = arith.constant 0 : index
    %get3A_16 = arith.constant 0 : index
    %get3A_17 = vector.load %arg7[%get3A_15, %get3A_16] : memref<1x256xf32, #tpu.memory_space<vmem>>, vector<1x256xf32>
    %add3A = vector.broadcast %get3A_17 : vector<1x256xf32> to vector<256x256xf32>
    %add3A_18 = arith.addf %dot_general3A_14, %add3A : vector<256x256xf32>
    %get3A_19 = arith.constant 0 : index
    %get3A_20 = arith.constant 0 : index
    %get3A_21 = vector.load %arg1[%get3A_19, %get3A_20] : memref<256x256xf32, #tpu.memory_space<vmem>>, vector<256x256xf32>
    %get3A_22 = arith.constant 0 : index
    %get3A_23 = arith.constant 0 : index
    %get3A_24 = vector.load %arg4[%get3A_22, %get3A_23] : memref<256x256xf32, #tpu.memory_space<vmem>>, vector<256x256xf32>
    %dot_general3A_25 = arith.constant dense<0.000000e+00> : vector<256x256xf32>
    %dot_general3A_26 = tpu.matmul %get3A_21, %get3A_24, %dot_general3A_25 {dimension_numbers = #tpu.dot_dimension_numbers<[1], [0], [0], [1], [0, 0, 1, 1], [], []>, transpose_lhs_hint = false} : vector<256x256xf32>, vector<256x256xf32>, vector<256x256xf32> -> vector<256x256xf32>
    %get3A_27 = arith.constant 0 : index
    %get3A_28 = arith.constant 0 : index
    %get3A_29 = vector.load %arg5[%get3A_27, %get3A_28] : memref<1x256xf32, #tpu.memory_space<vmem>>, vector<1x256xf32>
    %add3A_30 = vector.broadcast %get3A_29 : vector<1x256xf32> to vector<256x256xf32>
    %add3A_31 = arith.addf %dot_general3A_26, %add3A_30 : vector<256x256xf32>
    %add3A_32 = arith.addf %add3A_31, %add3A_18 : vector<256x256xf32>
    %max3A_33 = arith.constant 0.000000e+00 : f32
    %max3A_34 = vector.broadcast %max3A_33 : f32 to vector<256x256xf32>
    %max3A_35 = arith.maximumf %add3A_32, %max3A_34 : vector<256x256xf32>
    %get3A_36 = arith.constant 0 : index
    %get3A_37 = arith.constant 0 : index
    %get3A_38 = vector.load %arg8[%get3A_36, %get3A_37] : memref<256x128xf32, #tpu.memory_space<vmem>>, vector<256x128xf32>
    %dot_general3A_39 = arith.constant dense<0.000000e+00> : vector<256x128xf32>
    %dot_general3A_40 = tpu.matmul %max3A_35, %get3A_38, %dot_general3A_39 {dimension_numbers = #tpu.dot_dimension_numbers<[1], [0], [0], [1], [0, 0, 1, 1], [], []>, transpose_lhs_hint = false} : vector<256x256xf32>, vector<256x128xf32>, vector<256x128xf32> -> vector<256x128xf32>
    %get3A_41 = arith.constant 0 : index
    %get3A_42 = arith.constant 0 : index
    %get3A_43 = vector.load %arg9[%get3A_41, %get3A_42] : memref<1x128xf32, #tpu.memory_space<vmem>>, vector<1x128xf32>
    %add3A_44 = vector.broadcast %get3A_43 : vector<1x128xf32> to vector<256x128xf32>
    %add3A_45 = arith.addf %dot_general3A_40, %add3A_44 : vector<256x128xf32>
    %max3A_46 = arith.constant 0.000000e+00 : f32
    %max3A_47 = vector.broadcast %max3A_46 : f32 to vector<256x128xf32>
    %max3A_48 = arith.maximumf %add3A_45, %max3A_47 : vector<256x128xf32>
    %get3A_49 = arith.constant 0 : index
    %get3A_50 = arith.constant 0 : index
    %get3A_51 = vector.load %arg10[%get3A_49, %get3A_50] : memref<128x40xf32, #tpu.memory_space<vmem>>, vector<128x40xf32>
    %dot_general3A_52 = arith.constant dense<0.000000e+00> : vector<256x40xf32>
    %dot_general3A_53 = tpu.matmul %max3A_48, %get3A_51, %dot_general3A_52 {dimension_numbers = #tpu.dot_dimension_numbers<[1], [0], [0], [1], [0, 0, 1, 1], [], []>, transpose_lhs_hint = false} : vector<256x128xf32>, vector<128x40xf32>, vector<256x40xf32> -> vector<256x40xf32>
    %get3A_54 = arith.constant 0 : index
    %get3A_55 = arith.constant 0 : index
    %get3A_56 = vector.load %arg11[%get3A_54, %get3A_55] : memref<1x40xf32, #tpu.memory_space<vmem>>, vector<1x40xf32>
    %add3A_57 = vector.broadcast %get3A_56 : vector<1x40xf32> to vector<256x40xf32>
    %add3A_58 = arith.addf %dot_general3A_53, %add3A_57 : vector<256x40xf32>
    %reduce_max3A = arith.constant dense<0xFF800000> : vector<256xf32>
    %reduce_max3A_59 = vector.multi_reduction <maximumf>, %add3A_58, %reduce_max3A [1] : vector<256x40xf32> to vector<256xf32>
    %broadcast_in_dim3A = vector.shape_cast %reduce_max3A_59 : vector<256xf32> to vector<256x1xf32>
    %sub3A = vector.broadcast %broadcast_in_dim3A : vector<256x1xf32> to vector<256x40xf32>
    %sub3A_60 = arith.subf %add3A_58, %sub3A : vector<256x40xf32>
    %exp3A = math.exp %sub3A_60 : vector<256x40xf32>
    %reduce_sum3A = arith.constant dense<0.000000e+00> : vector<256xf32>
    %reduce_sum3A_61 = vector.multi_reduction <add>, %exp3A, %reduce_sum3A [1] : vector<256x40xf32> to vector<256xf32>
    %broadcast_in_dim3A_62 = vector.shape_cast %reduce_sum3A_61 : vector<256xf32> to vector<256x1xf32>
    %div3A_63 = vector.broadcast %broadcast_in_dim3A_62 : vector<256x1xf32> to vector<256x40xf32>
    %div3A_64 = arith.divf %exp3A, %div3A_63 : vector<256x40xf32>
    %swap3A = arith.constant 0 : index
    %swap3A_65 = arith.constant 0 : index
    %swap3A_66 = vector.load %arg12[%swap3A, %swap3A_65] : memref<256x40xf32, #tpu.memory_space<vmem>>, vector<256x40xf32>
    tpu.vector_store %arg12[%swap3A, %swap3A_65], %div3A_64 {strides = array<i32>} : memref<256x40xf32, #tpu.memory_space<vmem>>, vector<256x40xf32>,
    return
  }
  func.func @transform_0(%arg0: i32) -> (i32, i32) {
    %c0_i32 = arith.constant 0 : i32
    %c0_i32_0 = arith.constant 0 : i32
    return %arg0, %c0_i32 : i32, i32
  }
  func.func @transform_1(%arg0: i32) -> (i32, i32) {
    %c0_i32 = arith.constant 0 : i32
    %c0_i32_0 = arith.constant 0 : i32
    return %c0_i32, %arg0 : i32, i32
  }
  func.func @transform_2(%arg0: i32) -> (i32, i32) {
    %c0_i32 = arith.constant 0 : i32
    %c0_i32_0 = arith.constant 0 : i32
    %c0_i32_1 = arith.constant 0 : i32
    return %c0_i32, %c0_i32_0 : i32, i32
  }
  func.func @transform_3(%arg0: i32) -> (i32, i32) {
    %c0_i32 = arith.constant 0 : i32
    %c0_i32_0 = arith.constant 0 : i32
    %c0_i32_1 = arith.constant 0 : i32
    return %c0_i32, %c0_i32_0 : i32, i32
  }
  func.func @transform_4(%arg0: i32) -> (i32, i32) {
    %c0_i32 = arith.constant 0 : i32
    %c0_i32_0 = arith.constant 0 : i32
    %c0_i32_1 = arith.constant 0 : i32
    return %c0_i32, %c0_i32_0 : i32, i32
  }
  func.func @transform_5(%arg0: i32) -> (i32, i32) {
    %c0_i32 = arith.constant 0 : i32
    %c0_i32_0 = arith.constant 0 : i32
    %c0_i32_1 = arith.constant 0 : i32
    return %c0_i32, %c0_i32_0 : i32, i32
  }
  func.func @transform_6(%arg0: i32) -> (i32, i32) {
    %c0_i32 = arith.constant 0 : i32
    %c0_i32_0 = arith.constant 0 : i32
    %c0_i32_1 = arith.constant 0 : i32
    return %c0_i32, %c0_i32_0 : i32, i32
  }
  func.func @transform_7(%arg0: i32) -> (i32, i32) {
    %c0_i32 = arith.constant 0 : i32
    %c0_i32_0 = arith.constant 0 : i32
    %c0_i32_1 = arith.constant 0 : i32
    return %c0_i32, %c0_i32_0 : i32, i32
  }
  func.func @transform_8(%arg0: i32) -> (i32, i32) {
    %c0_i32 = arith.constant 0 : i32
    %c0_i32_0 = arith.constant 0 : i32
    %c0_i32_1 = arith.constant 0 : i32
    return %c0_i32, %c0_i32_0 : i32, i32
  }
  func.func @transform_9(%arg0: i32) -> (i32, i32) {
    %c0_i32 = arith.constant 0 : i32
    %c0_i32_0 = arith.constant 0 : i32
    %c0_i32_1 = arith.constant 0 : i32
    return %c0_i32, %c0_i32_0 : i32, i32
  }
  func.func @transform_10(%arg0: i32) -> (i32, i32) {
    %c0_i32 = arith.constant 0 : i32
    %c0_i32_0 = arith.constant 0 : i32
    %c0_i32_1 = arith.constant 0 : i32
    return %c0_i32, %c0_i32_0 : i32, i32
  }
  func.func @transform_11(%arg0: i32) -> (i32, i32) {
    %c0_i32 = arith.constant 0 : i32
    %c0_i32_0 = arith.constant 0 : i32
    return %arg0, %c0_i32 : i32, i32
  }
}

</mosaic_0001>

<sc_bundles>
// kernel: kernel.5.cloned.1.call-start
scs
__scs_entry_jumppad:
0x0: {  	(pc) =	sbr.rel $0x88, $3  }
0x1: {  	(tag) =	ssettag $0x0;
	lr =	simm.s32 $0x1  }
0x2: {  	[smem:$0x3F94] =	sst lr;
	_ =	strace $0xD0000000  }
0x3: {  	_ = 	snop  }
0x4: {  	_ = 	snop  }
0x5: {  	_ = 	snop  }
0x6: {  	_ = 	snop  }
0x7: {  	_ = 	snop  }
__scs_overlays_trampoline_lowered:
0x8: {  	[smem:$0x3FA3] =	sst s0  }
0x9: {  	[smem:$0x3FA4] =	sst s1  }
0xa: {  	[smem:$0x3FA5] =	sst s2  }
0xb: {  	[smem:$0x3FA6] =	sst s3  }
0xc: {  	[smem:$0x3FA7] =	sst s4  }
0xd: {  	[smem:$0x3FA8] =	sst s5  }
0xe: {  	[smem:$0x3FA9] =	sst s6  }
0xf: {  	[smem:$0x3FAA] =	sst s7  }
0x10: {  	[smem:$0x3FAB] =	sst s8  }
0x11: {  	[smem:$0x3FAC] =	sst s9;
	s0 =	simm.s32 @!p0 $0x0  }
0x12: {  	s1 =	sld [smem:$0x3F92];
	s0 =	simm.s32 @p0 $0x1  }
0x13: {  	[smem:$0x3FAD] =	sst s0;
	s0 =	simm.s32 @!p1 $0x0  }
0x14: {  	s2 =	sld [smem:$0x3F91];
	s0 =	simm.s32 @p1 $0x1  }
0x15: {  	[smem:$0x3FAE] =	sst s0;
	s0 =	simm.s32 @!p2 $0x0  }
0x16: {  	s3 =	sld [smem:$0x3FDB];
	s0 =	simm.s32 @p2 $0x1  }
0x17: {  	s4 =	simm.s32 $0x1BF5;
	[smem:$0x3FB0] =	sst s0  }
0x18: {  	s0 =	sld [smem:$0x3F93];
	_ =	swait.ge [sflag:s4], $0x0  }
0x19: {  	s7 =	sld [smem:$0x3F94]  }
0x1a: {  	s8 =	sadd.s32 $0xFFFFE003, lr  }
0x1b: {  	s9 =	sadd.s32 $0xFFFFFEF7, lr;
	s5 =	simm.s32 $0xFFFFFFFF;
	p2 =	slt.u32 s8, $0xFFFFF086  }
0x1c: {  	p1 =	slt.u32 s9, $0xF7A;
	s5 =	simm.s32 @!p2 $0x0  }
0x1d: {  	s5 =	simm.s32 @p1 $0x1;
	p0 =	seq.s32 s7, s2  }
0x1e: {  	s7 =	smul.u32 @!p0 $0xF7A, s2;
	p2 =	seq.s32 @!p0 s5, $0x0  }
0x1f: {  	s9 =	smul.u32 $0xF7A, s1;
	s8 =	simm.s32 @!p0 $0x1BF5;
	p2 =	por !p2, p0  }
0x20: {  	[sflag:s8] =	ssyncset.s32 @!p0 $0xFFFFF086;
	s6 =	sadd.s32 @!p0 s3, s7;
	s7 =	simm.s32 @!p0 $0x108  }
0x21: {  	s3 =	sadd.s32 s3, s9;
	s6 =	sadd.s32 @!p0 $0x88, s6;
	s7 =	simm.s32 @p2 $0x1082  }
0x22: {  	[simem:s7], [sflag:s8] =	dma.local @!p0 [hbm:s6], $0xF7A  }
0x23: {  	s9 =	sor.u32 $0xD0000000, s2;
	s6 =	simm.s32 $0x108;
	_ =	swait.ge @!p0 [sflag:s8], $0x0  }
0x24: {  	s3 =	sadd.s32 $0x88, s3;
	s6 =	simm.s32 @!p1 $0x1082;
	[sflag:s4] =	ssyncset.s32 $0xFFFFF086  }
0x25: {  	[simem:s6], [sflag:s4] =	dma.local [hbm:s3], $0xF7A  }
0x26: {  	[smem:$0x3F94] =	sst s1;
	(tag) =	ssettag s2;
	_ =	strace s9  }
0x27: {  	s1 =	sld [smem:$0x3FA4]  }
0x28: {  	s2 =	sld [smem:$0x3FA5]  }
0x29: {  	s4 =	sld [smem:$0x3FA7]  }
0x2a: {  	p0 =	seq.s32 s5, $0x0;
	s5 =	sld [smem:$0x3FA8]  }
0x2b: {  	s6 =	sld [smem:$0x3FA9]  }
0x2c: {  	s7 =	sld [smem:$0x3FAA]  }
0x2d: {  	s3 =	simm.s32 $0x108;
	s8 =	sld [smem:$0x3FAB]  }
0x2e: {  	s3 =	simm.s32 @!p0 $0x1082;
	s9 =	sld [smem:$0x3FAC]  }
0x2f: {  	lr =	sadd.s32 s0, s3;
	s0 =	sld [smem:$0x3FA3]  }
0x30: {  	s3 =	sld [smem:$0x3FA6]  }
0x31: {  	[smem:$0x3FAF] =	sst s10  }
0x32: {  	s10 =	sld [smem:$0x3FAD];
	_ =	sdelay $0x3  }
0x33: {  	p0 =	seq.s32 s10, $0x1;
	s10 =	sld [smem:$0x3FAF];
	_ =	sdelay $0x3  }
0x34: {  	[smem:$0x3FAF] =	sst s10  }
0x35: {  	s10 =	sld [smem:$0x3FAE];
	_ =	sdelay $0x3  }
0x36: {  	p1 =	seq.s32 s10, $0x1;
	s10 =	sld [smem:$0x3FAF];
	_ =	sdelay $0x3  }
0x37: {  	[smem:$0x3FAF] =	sst s10  }
0x38: {  	s10 =	sld [smem:$0x3FB0]  }
0x39: {  	_ = 	snop;
	(pc) =	sbr.ind lr, $3  }
0x3a: {  	_ = 	snop  }
0x3b: {  	_ = 	snop  }
0x3c: {  	p2 =	seq.s32 s10, $0x1;
	s10 =	sld [smem:$0x3FAF]  }
0x3d: {  	_ =	shalt  }
0x3e: {  	_ =	shalt  }
0x3f: {  	_ =	shalt  }
0x40: {  	_ =	shalt  }
0x41: {  	_ =	shalt  }
0x42: {  	_ =	shalt  }
0x43: {  	_ =	shalt  }
0x44: {  	_ =	shalt  }
0x45: {  	_ =	shalt  }
0x46: {  	_ =	shalt  }
0x47: {  	_ =	shalt  }
0x48: {  	_ =	shalt  }
0x49: {  	_ =	shalt  }
0x4a: {  	_ =	shalt  }
0x4b: {  	_ =	shalt  }
0x4c: {  	_ =	shalt  }
0x4d: {  	_ =	shalt  }
0x4e: {  	_ =	shalt  }
0x4f: {  	_ =	shalt  }
0x50: {  	_ =	shalt  }
0x51: {  	_ =	shalt  }
0x52: {  	_ =	shalt  }
0x53: {  	_ =	shalt  }
0x54: {  	_ =	shalt  }
0x55: {  	_ =	shalt  }
0x56: {  	_ =	shalt  }
0x57: {  	_ =	shalt  }
0x58: {  	_ =	shalt  }
0x59: {  	_ =	shalt  }
0x5a: {  	_ =	shalt  }
0x5b: {  	_ =	shalt  }
0x5c: {  	_ =	shalt  }
0x5d: {  	_ =	shalt  }
0x5e: {  	_ =	shalt  }
0x5f: {  	_ =	shalt  }
0x60: {  	_ =	shalt  }
0x61: {  	_ =	shalt  }
0x62: {  	_ =	shalt  }
0x63: {  	_ =	shalt  }
0x64: {  	_ =	shalt  }
0x65: {  	_ =	shalt  }
0x66: {  	_ =	shalt  }
0x67: {  	_ =	shalt  }
0x68: {  	_ =	shalt  }
0x69: {  	_ =	shalt  }
0x6a: {  	_ =	shalt  }
0x6b: {  	_ =	shalt  }
0x6c: {  	_ =	shalt  }
0x6d: {  	_ =	shalt  }
0x6e: {  	_ =	shalt  }
0x6f: {  	_ =	shalt  }
0x70: {  	_ =	shalt  }
0x71: {  	_ =	shalt  }
0x72: {  	_ =	shalt  }
0x73: {  	_ =	shalt  }
0x74: {  	_ =	shalt  }
0x75: {  	_ =	shalt  }
0x76: {  	_ =	shalt  }
0x77: {  	_ =	shalt  }
0x78: {  	_ =	shalt  }
0x79: {  	_ =	shalt  }
0x7a: {  	_ =	shalt  }
0x7b: {  	_ =	shalt  }
0x7c: {  	_ =	shalt  }
0x7d: {  	_ =	shalt  }
0x7e: {  	_ =	shalt  }
0x7f: {  	_ =	shalt  }
0x80: {  	_ =	shalt  }
0x81: {  	_ =	shalt  }
0x82: {  	_ =	shalt  }
0x83: {  	_ =	shalt  }
0x84: {  	_ =	shalt  }
0x85: {  	_ =	shalt  }
0x86: {  	_ =	shalt  }
0x87: {  	_ =	shalt  }
.Lfunc_end0:
.L_simem_size_0:
called_computation_lowered:
.L_overlay_start_0:
0x88: {  	s2 =	sld [smem:$0x3FD9]  }
0x89: {  	s3 =	sld [smem:$0x3FFE];
	_ =	sdelay $0x1  }
0x8a: {  	s1 =	srdreg.scid  }
0x8b: {  	s0 =	sand.u32 $0x1, s1  }
0x8c: {  	s17 =	sshll.u32 s0, $0xA;
	s2 =	sadd.s32 s3, s2  }
0x8d: {  	s2 =	sadd.s32 s2, s17  }
0x8e: {  	[smem:$0x3FBB] =	sst s2  }
0x8f: {  	_ = 	snop  }
0x90: {  	s2 =	sld [smem:$0x3FC8]  }
0x91: {  	s18 =	sld [smem:$0x3FC7];
	(tm) =	ssettm $0x1  }
0x92: {  	s4 =	sld [smem:$0x3FFB];
	_ =	sdelay $0x3  }
0x93: {  	_ =	strace s4  }
0x94: {  	s4 =	sld [smem:$0x3FFC];
	_ =	sdelay $0x3  }
0x95: {  	_ =	strace s4  }
0x96: {  	s4 =	sld [smem:$0x3FFD];
	_ =	sdelay $0x3  }
0x97: {  	_ =	strace s4  }
0x98: {  	_ =	strace $0x8FFFFFFF  }
0x99: {  	s19 =	sld [smem:$0x3FDB];
	_ =	sdelay $0x1  }
0x9a: {  	s5 =	simm.s32 $_scs_section_size  }
0x9b: {  	s6 =	simm.s32 $_size__tile_overlayer_lowered;
	s7 =	simm.s32 $_tile_overlayer_lowered  }
0x9c: {  	s22 =	simm.s32 $0x1BFF;
	s21 =	sshll.u32 s7, $0x1;
	s4 =	sadd.s32 s5, s19  }
0x9d: {  	s8 =	simm.s32 $0x0;
	s20 =	sshll.u32 s6, $0x1;
	s6 =	sadd.s32 s21, s4  }
0x9e: {  	[timem:s8], [sflag:s22] =	dma.local [hbm:s6], s20  }
0x9f: {  	_ =	swait.ge [sflag:s22], s20  }
0xa0: {  	s5 =	ssub.s32 $0x0, s20;
	[sflag:s22] =	ssyncset.done $0x0  }
0xa1: {  	[sflag:s22] =	ssyncadd.s32 s5;
	_ =	sdelay $0x1  }
0xa2: {  	s23 =	simm.s32 $0x1B8B  }
0xa3: {  	_ =	swait.ge [sflag:s23], $0x1  }
0xa4: {  	[sflag:s23] =	ssyncset.done $0x0  }
0xa5: {  	s25 =	simm.s32 $0x1B8E;
	s24 =	sld [smem:$0x3FFE];
	[sflag:s23] =	ssyncadd.s32 $0xFFFFFFFF  }
0xa6: {  	s26 =	simm.s32 $execute0_lowered;
	[smem:$0x3FD2] =	sst s25  }
0xa7: {  	s6 =	sshll.u32 s26, $0x1;
	_ =	strace $0x80000046;
	[dreg:$0x1] =	wrdreg $0xFFFFFFFF  }
0xa8: {  	s28 =	simm.s32 $_size_execute0_lowered;
	s4 =	sadd.s32 s4, s6;
	[dreg:$0x0] =	wrdreg $0x0  }
0xa9: {  	s6 =	sshll.u32 s28, $0x1;
	[dreg:$0x2] =	wrdreg s4  }
0xaa: {  	[dreg:$0x3] =	wrdreg s6  }
0xab: {  	[dreg:$0x4] =	wrdreg $0xC0  }
0xac: {  	_ =	task [dreg:s8], $0x5FFFF  }
0xad: {  	[dreg:$0x1] =	wrdreg $0xFFFFFFFF  }
0xae: {  	[dreg:$0x0] =	wrdreg $0x60  }
0xaf: {  	[dreg:$0x2] =	wrdreg s2  }
0xb0: {  	[dreg:$0x3] =	wrdreg s18  }
0xb1: {  	[dreg:$0x4] =	wrdreg s24  }
0xb2: {  	[dreg:$0x5] =	wrdreg $0x9  }
0xb3: {  	_ =	task.clear_ibuf [dreg:s8], $0x6FFFF;
	_ =	strace $0x90000046  }
0xb4: {  	s29 =	simm.s32 $0x9;
	_ =	strace $0x80000048  }
0xb5: {  	_ =	swait.ge [sflag:s29], $0x1  }
0xb6: {  	[sflag:s29] =	ssyncadd.s32 $0xFFFFFFFF  }
0xb7: {  	_ =	strace $0x90000048  }
0xb8: {  	_ =	sfence  }
0xb9: {  	s30 =	sld [smem:$0x0];
	_ =	sdelay $0x2  }
0xba: {  	s31 =	sshll.u32 s1, $0xD;
	s1 =	sshrl.u32 s1, $0x2  }
0xbb: {  	s3 =	sand.u32 $0x4000, s31;
	s1 =	sadd.s32 s1, s30  }
0xbc: {  	s0 =	sor.u32 s3, s0;
	s1 =	sshll.u32 s1, $0x11  }
0xbd: {  	s0 =	sor.u32 s1, s0  }
0xbe: {  	s0 =	sadd.s32 $0x8F2B, s0  }
0xbf: {  	[sflag:s0] =	ssyncadd.remote.s32 $0x1  }
0xc0: {  	_ =	sfence.sel $0xFFFF  }
0xc1: {  	[dreg:$0x0] =	wrdreg $0xFFFFFFFF;
	(pc) =	sbr.abs _section_cstart, $3  }
0xc2: {  	[dreg:$0x1] =	wrdreg $0xFFFFFFFF  }
0xc3: {  	_ =	task.clear_ibuf [dreg:s8], $0x2FFFF;
	_ =	strace $0x9FFFFFFF  }
0xc4: {  	(tm) =	ssettm $0x7FFFFFFF  }
0xc5: {  	_ =	shalt  }
tec
execute0_lowered:
.L_overlay_start_1:
0x0: {  	(tag) =	ssettag $0x1  }
0x1: {  	s0 =	rddreg [dreg:$0x0]  }
0x2: {  	s1 =	srdreg.scid;
	s3 =	rddreg [dreg:$0x1]  }
0x3: {  	s6 =	rddreg [dreg:$0x2];
	s2 =	stileid.u32  }
0x4: {  	s4 =	simm.s32 $0x0;
	s17 =	simm.s32 $0x0;
	s9 =	sand.u32 $0x1, s1  }
0x5: {  	s1 =	rddreg [dreg:$0x3];
	s16 =	smul.u32 $0x1388, s2;
	s5 =	sshll.u32 s9, $0x4  }
0x6: {  	[smem:$0x7FF] =	sst s4;
	s13 =	smul.u32 $0x13880, s9;
	s5 =	sor.u32 s2, s5  }
0x7: {  	s30 =	sshll.u32 s2, $0x6;
	s7 =	ssub.s32 $0x2, s9;
	s11 =	smul.u32 $0x1388, s5  }
0x8: {  	_ =	strace $0x80000047;
	s8 =	sshrl.u32 s7, $0x1;
	s10 =	smul.u32 $0x14000, s5  }
0x9: {  	s5 =	sadd.s32 $0x1A00, s6;
	s6 =	sadd.s32 $0x15A00, s6;
	s12 =	ssub.s32 s7, s8  }
0xa: {  	s8 =	sor.u32 $0x1C01, s30;
	s13 =	sadd.s32 s16, s13;
	s16 =	simm.s32 $0x480  }
.Ltmp0:
0xb: {  	s12 =	smax.u32 s12, $0x1;
	s31 =	sadd.s32 $0x1380, s11;
	(pc) =	sbr.rel .LBB2_1-.Ltmp0, $4  }
0xc: {  	s13 =	sand.u32 $0x3FC00, s13;
	s7 =	sadd.s32 s6, s10;
	s10 =	sand.u32 $0x7FC00, s31  }
0xd: {  	s14 =	sadd.s32 $0x1780, s11;
	s9 =	sshrl.u32 s11, $0xA;
	s15 =	smin.u32 s10, $0x26D00  }
0xe: {  	v0 =	vimm.f32 $0.0e+00;
	vm0 =	vcmask $0x300;
	s10 =	sshrl.u32 s14, $0xA;
	s14 =	simm.s32 $0x1;
	s11 =	ssub.s32 s11, s15  }
0xf: {  	v0 =	vsel vm0, $0x3F800000, v0;
	p0 =	sge.u32 s9, s10;
	s15 =	simm.s32 $0x900;
	s11 =	sadd.s32 $0x138F, s11  }
.LBB2_3:
0x10: {  	_ = 	snop  }
.LBB2_6:
0x11: {  	[sflag:s14] =	ssyncadd.s32 @p1 $0xFFFFFBF8  }
0x12: {  	[tilespmem:s16], [sflag:$0x1] =	stream.linear.gather @p1 [hbm4b:s21+s4], $0x408, $0x38;
	[tilespmem:$0x14900] =	vst v63  }
0x13: {  	_ =	swait.ge @p1 [sflag:s14], $0x408  }
0x14: {  	s18 =	sshrl.u32 s20, $0x3;
	[sflag:s14] =	ssyncset.done @p1 $0x0  }
0x15: {  	s19 =	sadd.s32 s0, s18;
	[sflag:s14] =	ssyncadd.s32 @p1 $0xFFFFFBF8  }
0x16: {  	[tilespmem:s4], [sflag:$0x1] =	stream.linear.gather [hbm4b:s19+s4], $0x408, $0x38;
	[tilespmem:$0x14900] =	vst v63  }
0x17: {  	_ =	swait.ge [sflag:s14], $0x408  }
0x18: {  	[sflag:s14] =	ssyncset.done $0x0  }
0x19: {  	s18 =	sadd.s32 s3, s18;
	[sflag:s14] =	ssyncadd.s32 $0xFFFFFBF8  }
0x1a: {  	[tilespmem:s16], [sflag:$0x1] =	stream.linear.gather [hbm4b:s18+s4], $0x408, $0x38;
	[tilespmem:$0x14900] =	vst v63  }
0x1b: {  	_ =	swait.ge [sflag:s14], $0x408  }
0x1c: {  	[sflag:s14] =	ssyncset.done $0x0  }
0x1d: {  	[sflag:s14] =	ssyncadd.s32 $0xFFFFFBF8  }
.LBB2_7:
0x1e: {  	v1 =	vld [tilespmem:s11+$0x480];
	_ =	sdelay $0x4  }
0x1f: {  	v2 =	vand.u32 $0x10, v1  }
0x20: {  	vm0 =	veq.s32 v2, $0x0;
	v2 =	vand.u32 $0x8, v1  }
0x21: {  	v3 =	vsel vm0, $0x0, v0;
	vm9 =	veq.s32 v2, $0x0;
	v2 =	vand.u32 $0x20, v1  }
0x22: {  	(xrf0) =	vmax.scan.msk.f32 $0xffff, v3;
	v3 =	vsel vm9, $0x0, v0;
	vm10 =	veq.s32 v2, $0x0;
	v2 =	vand.u32 $0x40, v1  }
0x23: {  	(xrf0) =	vmax.scan.msk.f32 $0xffff, v3;
	v3 =	vsel vm10, $0x0, v0;
	vm11 =	veq.s32 v2, $0x0  }
0x24: {  	v2 =	vand.u32 $0x80, v1;
	(xrf0) =	vmax.scan.msk.f32 $0xffff, v3;
	v3 =	vsel vm11, $0x0, v0  }
0x25: {  	vm12 =	veq.s32 v2, $0x0;
	(xrf0) =	vmax.scan.msk.f32 $0xffff, v3;
	v3 =	vand.u32 $0x100, v1  }
0x26: {  	v2 =	vsel vm12, $0x0, v0;
	vm13 =	veq.s32 v3, $0x0  }
0x27: {  	(xrf0) =	vmax.scan.msk.f32 $0xffff, v2;
	v2 =	vsel vm13, $0x0, v0  }
0x28: {  	v3, _, _ =	vpop (xrf0);
	(xrf0) =	vmax.scan.msk.f32 $0xffff, v2;
	v2 =	vand.u32 $0x200, v1  }
0x29: {  	vm14 =	veq.s32 v2, $0x0  }
0x2a: {  	v4, _, _ =	vpop (xrf0);
	(v2sf) =	vpush v3, $0xF;
	v3 =	vsel vm14, $0x0, v0  }
0x2b: {  	v1 =	vand.u32 $0x400, v1;
	(v2sf) =	vpush v4, $0xF;
	v2, _, _ =	vpop (xrf0)  }
0x2c: {  	vm15 =	veq.s32 v1, $0x0;
	(v2sf) =	vpush v2, $0xF;
	v2, _, _ =	vpop (xrf0)  }
0x2d: {  	v1 =	vsel vm15, $0x0, v0;
	(xrf0) =	vmax.scan.msk.f32 $0xffff, v3;
	v3, _, _ =	vpop (xrf0)  }
0x2e: {  	(v2sf) =	vpush v2, $0xF;
	v2, _, _ =	vpop (xrf0);
	(xrf0) =	vmax.scan.msk.f32 $0xffff, v1;
	_ =	sdelay $0x1  }
0x2f: {  	(v2sf) =	vpush v3, $0xF  }
0x30: {  	(v2sf) =	vpush v2, $0xF;
	_ =	sdelay $0x1  }
0x31: {  	v1, _, _ =	vpop (xrf0)  }
0x32: {  	(v2sf) =	vpush v1, $0xF;
	v1, _, _ =	vpop (xrf0)  }
0x33: {  	(v2sf) =	vpush v1, $0xF;
	_ =	sdelay $0x5  }
0x34: {  	s23 =	simm.s32 $0x1;
	s24 =	simm.s32 $0x8;
	s18 =	spop (v2sf)  }
0x35: {  	s19 =	spop (v2sf);
	p1 =	sgt.f32 s18, $0.0e+00;
	s18 =	simm.s32 $0x10  }
0x36: {  	p2 =	sgt.f32 s19, $0.0e+00;
	s19 =	simm.s32 $0x2;
	s20 =	spop (v2sf)  }
0x37: {  	s19 =	simm.s32 @!p1 $0x0;
	s21 =	spop (v2sf);
	p1 =	sgt.f32 s20, $0.0e+00  }
0x38: {  	s23 =	simm.s32 @!p2 $0x0;
	s22 =	spop (v2sf);
	p2 =	sgt.f32 s21, $0.0e+00  }
0x39: {  	s21 =	simm.s32 $0x4;
	s19 =	sor.u32 s23, s19;
	s29 =	spop (v2sf)  }
0x3a: {  	s21 =	simm.s32 @!p1 $0x0;
	p1 =	sgt.f32 s22, $0.0e+00;
	s22 =	simm.s32 $0x20  }
0x3b: {  	s24 =	simm.s32 @!p2 $0x0;
	p2 =	sgt.f32 s29, $0.0e+00;
	s19 =	sor.u32 s21, s19  }
0x3c: {  	s21 =	simm.s32 $0x40;
	s18 =	simm.s32 @!p1 $0x0;
	s30 =	spop (v2sf)  }
0x3d: {  	s19 =	sor.u32 s24, s19;
	p1 =	sgt.f32 s30, $0.0e+00;
	s31 =	spop (v2sf)  }
0x3e: {  	s22 =	simm.s32 @!p2 $0x0;
	s18 =	sor.u32 s18, s19;
	p2 =	sgt.f32 s31, $0.0e+00  }
0x3f: {  	s19 =	simm.s32 $0x80;
	s18 =	sor.u32 s22, s18;
	s21 =	simm.s32 @!p1 $0x0  }
0x40: {  	s18 =	sor.u32 s21, s18;
	s19 =	simm.s32 @!p2 $0x0  }
0x41: {  	s18 =	sadd.s32 s19, s18  }
0x42: {  	s17 =	sadd.s32 $0x1, s17;
	s18 =	smul.u32 $0x2800, s18  }
0x43: {  	p1 =	sne.s32 s17, s12  }
.Ltmp1:
0x44: {  	s18 =	sadd.s32 s6, s18;
	(pc) =	sbr.rel @!p1 .LBB2_8-.Ltmp1, $4  }
0x45: {  	[hbm4b:s18+s4] =	stream.linear.scatter [tilespmem:s15], [sflag:$0x1], $0x14000, $0x38;
	[tilespmem:$0x14900] =	vst v63  }
0x46: {  	_ =	swait.ge [sflag:s14], $0x14000  }
0x47: {  	[sflag:s14] =	ssyncset.done $0x0  }
0x48: {  	[sflag:s14] =	ssyncadd.s32 $0xFFFEC000  }
.LBB2_1:
0x49: {  	[hbm:s7], [sflag:s8] =	dma.local [hbm:s5], $0x14000  }
0x4a: {  	_ =	swait.ge [sflag:s14], $0x14000  }
0x4b: {  	[sflag:s14] =	ssyncset.done $0x0  }
.Ltmp2:
0x4c: {  	[sflag:s14] =	ssyncadd.s32 $0xFFFEC000;
	(pc) =	sbr.rel @p0 .LBB2_7-.Ltmp2, $4  }
0x4d: {  	[tilespmem:s15], [sflag:$0x1] =	stream.linear.gather [hbm4b:s5+s4], $0x14000, $0x38;
	[tilespmem:$0x14900] =	vst v63  }
0x4e: {  	_ =	swait.ge [sflag:s14], $0x14000  }
0x4f: {  	[sflag:s14] =	ssyncset.done $0x0  }
0x50: {  	[sflag:s14] =	ssyncadd.s32 $0xFFFEC000  }
0x51: {  	s19 =	sadd.s32 $0x1, s9  }
0x52: {  	p2 =	slt.u32 s19, s10  }
.Ltmp3:
0x53: {  	_ = 	snop;
	(pc) =	sbr.rel @!p2 .LBB2_3-.Ltmp3, $4  }
0x54: {  	p1 =	sgt.s32 s13, $0x8;
	s18 =	smov.u32 s13  }
0x55: {  	s18 =	simm.s32 @!p1 $0x8  }
0x56: {  	s18 =	sadd.s32 $0xFFFFFFF8, s18  }
0x57: {  	p1 =	por $0x0, $0x0;
	s20 =	smin.u32 s18, $0x26CF8  }
0x58: {  	s21 =	sshrl.u32 s20, $0x3;
	s19 =	sadd.s32 $0x1, s19  }
0x59: {  	s20 =	sadd.s32 s0, s21;
	p2 =	slt.u32 s19, s10  }
0x5a: {  	[tilespmem:s4], [sflag:$0x1] =	stream.linear.gather [hbm4b:s20+s4], $0x408, $0x38;
	[tilespmem:$0x14900] =	vst v63  }
.Ltmp4:
0x5b: {  	s18 =	sadd.s32 $0x400, s13;
	(pc) =	sbr.rel @!p2 .LBB2_6-.Ltmp4, $4  }
0x5c: {  	p1 =	sgt.s32 s18, $0x8;
	s20 =	smov.u32 s18  }
0x5d: {  	s20 =	simm.s32 @!p1 $0x8  }
0x5e: {  	s21 =	sadd.s32 s3, s21;
	_ =	swait.ge [sflag:s14], $0x408;
	s20 =	sadd.s32 $0xFFFFFFF8, s20  }
0x5f: {  	p1 =	por $0x1, $0x1;
	[sflag:s14] =	ssyncset.done $0x0;
	s20 =	smin.u32 s20, $0x26CF8  }
.LBB2_5:
0x60: {  	s19 =	sadd.s32 $0x1, s19;
	s22 =	sshrl.u32 s20, $0x3;
	[sflag:s14] =	ssyncadd.s32 $0xFFFFFBF8  }
0x61: {  	[tilespmem:s16], [sflag:$0x1] =	stream.linear.gather [hbm4b:s21+s4], $0x408, $0x38;
	[tilespmem:$0x14900] =	vst v63  }
0x62: {  	p2 =	slt.u32 s19, s10;
	_ =	swait.ge [sflag:s14], $0x408  }
0x63: {  	s18 =	sadd.s32 $0x400, s18;
	[sflag:s14] =	ssyncset.done $0x0  }
0x64: {  	p3 =	sgt.s32 s18, $0x8;
	s20 =	sadd.s32 s0, s22;
	[sflag:s14] =	ssyncadd.s32 $0xFFFFFBF8  }
0x65: {  	[tilespmem:s4], [sflag:$0x1] =	stream.linear.gather [hbm4b:s20+s4], $0x408, $0x38;
	[tilespmem:$0x14900] =	vst v63  }
.Ltmp5:
0x66: {  	_ = 	snop;
	(pc) =	sbr.rel @p2 .LBB2_5-.Ltmp5, $4  }
0x67: {  	s20 =	smov.u32 s18  }
0x68: {  	s20 =	simm.s32 @!p3 $0x8  }
0x69: {  	s20 =	sadd.s32 $0xFFFFFFF8, s20;
	_ =	swait.ge [sflag:s14], $0x408  }
0x6a: {  	s21 =	sadd.s32 s3, s22;
	s20 =	smin.u32 s20, $0x26CF8;
	[sflag:s14] =	ssyncset.done $0x0  }
.Ltmp6:
0x6b: {  	_ = 	snop;
	(pc) =	sbr.rel .LBB2_6-.Ltmp6, $1  }
0x6c: {  	_ =	sdelay $0x3  }
.LBB2_8:
0x6d: {  	_ =	sfence.sel $0x180000  }
0x6e: {  	[bflag:$0x0] =	sbarrier.arrive $0xFFFF  }
0x6f: {  	p0 =	sne.s32 s2, $0x0;
	_ =	strace $0x90000047  }
0x70: {  	s0 =	sadd.s32 @!p0 $0x100000, s1;
	[bflag:$0x2] =	sbarrier.arrive $0xFFFF  }
0x71: {  	[sflag:s0] =	ssyncadd.tile.s32 @!p0 $0x1;
	_ =	shalt  }
.Lfunc_end2:
_tile_overlayer_lowered:
.L_overlay_start_2:
0x72: {  	(tag) =	ssettag $0x2  }
0x73: {  	s0 =	rddreg [dreg:$0x0];
	s2 =	stileid.u32  }
0x74: {  	s1 =	rddreg [dreg:$0x1];
	p0 =	sne.s32 s2, $0x0  }
0x75: {  	s3 =	rddreg [dreg:$0x2];
	[bflag:$0x3] =	sbarrier.arrive $0xFFFF;
	s2 =	simm.s32 @!p0 $0x1C01  }
0x76: {  	[timem:s3], [sflag:s2] =	dma.local @!p0 [hbm:s0], s1  }
0x77: {  	s0 =	simm.s32 @!p0 $0x1  }
0x78: {  	_ =	swait.ge @!p0 [sflag:s0], s1  }
0x79: {  	s1 =	ssub.s32 @!p0 $0x0, s1;
	[sflag:s0] =	ssyncset.done @!p0 $0x0  }
0x7a: {  	[sflag:s0] =	ssyncadd.s32 @!p0 s1  }
0x7b: {  	[bflag:$0x3] =	sbarrier.arrive $0xFFFF  }
0x7c: {  	_ =	shalt  }

</sc_bundles>
